<compile_context>
chip_gen: v7x
topology: tpu7x:2x2x1
jax: 0.10.2.dev20260603
libtpu: 0.0.44.dev20260713+nightly
codegen_flags: <defaults>
</compile_context>

<pallas_src>
import functools

import jax
import jax.numpy as jnp
from jax import lax
from jax.experimental import pallas as pl
from jax.experimental.pallas import tpu as pltpu
from jax.experimental.pallas import tpu_sc as plsc

_K = 8192
_D = 256
_BETA = 0.25
_BN = 1152
_KC = 512


def _argmin_body(x_ref, e_ref, idx_ref, loss_ref):
    x = x_ref[...]
    xsq = jnp.sum(x * x, axis=1, keepdims=True)
    txsq = lax.bitcast_convert_type(xsq, jnp.int32)
    colb = lax.broadcasted_iota(jnp.int32, (_BN, _KC), 1)
    comb = colb + (jnp.int32(2 ** 30) - (txsq << 13))
    run = jnp.full((_BN, 1), jnp.inf, jnp.float32)
    x2 = x + x
    for c in range(_K // _KC):
        e_c = e_ref[pl.ds(c * _KC, _KC), :]
        y = lax.dot_general(
            x2, e_c, (((1,), (1,)), ((), ())),
            preferred_element_type=jnp.float32)
        s = xsq - y
        t = lax.bitcast_convert_type(s, jnp.int32)
        key = (t << 13) + comb
        kmin = jnp.min(lax.bitcast_convert_type(key, jnp.float32),
                       axis=1, keepdims=True)
        kabs = lax.bitcast_convert_type(kmin, jnp.int32) + (c * _KC)
        run = jnp.minimum(run, lax.bitcast_convert_type(kabs, jnp.float32))
    ik = lax.bitcast_convert_type(run, jnp.int32) - jnp.int32(2 ** 30)
    col = jnp.bitwise_and(ik, jnp.int32(_K - 1))
    u = lax.shift_right_arithmetic(ik, 13)
    smin = lax.bitcast_convert_type(u + txsq, jnp.float32)
    idx_ref[...] = jnp.reshape(col, (1, _BN // 128, 128))
    loss_ref[...] = jnp.full((1, 1, 128), jnp.sum(smin), jnp.float32)


def _tc_argmin(flat, emb):
    n = flat.shape[0]
    nb = n // _BN
    return pl.pallas_call(
        _argmin_body,
        grid=(nb,),
        in_specs=[pl.BlockSpec((_BN, _D), lambda i: (i, 0)),
                  pl.BlockSpec((_K, _D), lambda i: (0, 0))],
        out_specs=[pl.BlockSpec((1, _BN // 128, 128), lambda i: (i, 0, 0)),
                   pl.BlockSpec((1, 1, 128), lambda i: (i, 0, 0))],
        out_shape=[jax.ShapeDtypeStruct((nb, _BN // 128, 128), jnp.int32),
                   jax.ShapeDtypeStruct((nb, 1, 128), jnp.float32)],
    )(flat, emb)


def _sc_gather(emb, idx):
    n = idx.shape[0]
    info = plsc.get_sparse_core_info()
    nw = info.num_cores * info.num_subcores
    bpw = n // nw
    ch = 192
    nch = bpw // ch
    mesh = plsc.VectorSubcoreMesh(core_axis_name="c", subcore_axis_name="s")

    @functools.partial(
        pl.kernel, mesh=mesh,
        out_type=jax.ShapeDtypeStruct((n, _D), jnp.float32),
        scratch_types=[pltpu.VMEM((bpw,), jnp.int32),
                       pltpu.VMEM((ch, _D), jnp.float32),
                       pltpu.VMEM((ch, _D), jnp.float32),
                       pltpu.SemaphoreType.DMA,
                       pltpu.SemaphoreType.DMA,
                       pltpu.SemaphoreType.DMA,
                       pltpu.SemaphoreType.DMA],
    )
    def gather_k(e_hbm, idx_hbm, out_hbm, idx_all, r0, r1,
                 sg0, sg1, sw0, sw1):
        wid = lax.axis_index("s") * info.num_cores + lax.axis_index("c")
        base = wid * bpw
        rows = (r0, r1)
        gsems = (sg0, sg1)
        wsems = (sw0, sw1)
        pltpu.sync_copy(idx_hbm.at[pl.ds(base, bpw)], idx_all)
        gathers = [None] * nch
        writes = [None] * nch
        gathers[0] = pltpu.async_copy(
            e_hbm.at[idx_all.at[pl.ds(0, ch)]], r0, sg0)
        for ci in range(nch):
            b = ci % 2
            if ci + 1 < nch:
                if ci >= 1:
                    writes[ci - 1].wait()
                gathers[ci + 1] = pltpu.async_copy(
                    e_hbm.at[idx_all.at[pl.ds((ci + 1) * ch, ch)]],
                    rows[1 - b], gsems[1 - b])
            gathers[ci].wait()
            writes[ci] = pltpu.async_copy(
                rows[b], out_hbm.at[pl.ds(base + ci * ch, ch)], wsems[b])
        writes[nch - 2].wait()
        writes[nch - 1].wait()

    return gather_k(emb, idx)


def kernel(latents, embedding_weight):
    shape = latents.shape
    flat = latents.reshape(-1, _D)
    n = flat.shape[0]
    idx2d, loss_parts = _tc_argmin(flat, embedding_weight)
    q = _sc_gather(embedding_weight, idx2d.reshape(-1))
    vq_loss = jnp.sum(loss_parts[:, 0, 0]) * ((1.0 + _BETA) / (n * _D))
    return (q.reshape(shape), vq_loss)

# --- scband reference (transcript-rebuilt; emitter-appended) ---
"""Pipeline reference for scband-vqvae-68925635166670 (READ-ONLY COPY).

The authoritative reference and input builder live on the scoring server;
editing this copy changes nothing except your own understanding.
"""

import jax, jax.numpy as jnp
import numpy as np

K = 8192
D = 256
BETA = 0.25

def setup_inputs(seed: int = 0) -> dict:
    key = jax.random.key(seed)
    k1, k2 = jax.random.split(key)
    latents = jax.random.normal(k1, (64, 576, 256), dtype=jnp.float32)
    # embedding.weight.data.uniform_(-1/K, 1/K)
    embedding_weight = jax.random.uniform(k2, (K, D), dtype=jnp.float32, minval=-1.0 / K, maxval=1.0 / K)
    return {"latents": latents, "embedding_weight": embedding_weight}

def reference(latents, embedding_weight):
    latents_shape = latents.shape
    flat_latents = latents.reshape(-1, D)  # [N, D]
    # dist = |x|^2 + |e|^2 - 2 x e^T
    dist = (jnp.sum(flat_latents ** 2, axis=1, keepdims=True)
            + jnp.sum(embedding_weight ** 2, axis=1)
            - 2.0 * jnp.matmul(flat_latents, embedding_weight.T))  # [N, K]
    encoding_inds = jnp.argmin(dist, axis=1)  # [N]
    N = flat_latents.shape[0]
    # one-hot via scatter-overwrite (mirrors torch scatter_)
    encoding_one_hot = jnp.zeros((N, K), dtype=jnp.float32).at[jnp.arange(N), encoding_inds].set(1.0)
    quantized_latents = jnp.matmul(encoding_one_hot, embedding_weight)  # [N, D]
    quantized_latents = quantized_latents.reshape(latents_shape)
    commitment_loss = jnp.mean((jax.lax.stop_gradient(quantized_latents) - latents) ** 2)
    embedding_loss = jnp.mean((quantized_latents - jax.lax.stop_gradient(latents)) ** 2)
    vq_loss = commitment_loss * BETA + embedding_loss
    quantized_latents = latents + jax.lax.stop_gradient(quantized_latents - latents)
    return (quantized_latents, vq_loss)

if __name__ == "__main__":
    import jax
    _d = setup_inputs()
    print(jax.jit(kernel)(*tuple(_d.values())))

</pallas_src>

<mosaic_0001>
#map = affine_map<(d0, d1) -> (0, 0)>
#map1 = affine_map<(d0, d1) -> (0)>
module attributes {stable_mosaic.version = 14 : i64} {
  func.func @gather_k(%arg0: i32, %arg1: i32, %arg2: memref<8192x256xf32, #tpu.memory_space<hbm>>, %arg3: memref<36864xi32, #tpu.memory_space<hbm>>, %arg4: memref<36864x256xf32, #tpu.memory_space<hbm>>, %arg5: memref<1152xi32, #tpu.memory_space<vmem>>, %arg6: memref<192x256xf32, #tpu.memory_space<vmem>>, %arg7: memref<192x256xf32, #tpu.memory_space<vmem>>, %arg8: memref<!tpu.dma_semaphore, #tpu.memory_space<semaphore_mem>>, %arg9: memref<!tpu.dma_semaphore, #tpu.memory_space<semaphore_mem>>, %arg10: memref<!tpu.dma_semaphore, #tpu.memory_space<semaphore_mem>>, %arg11: memref<!tpu.dma_semaphore, #tpu.memory_space<semaphore_mem>>) attributes {dimension_semantics = [#tpu.dimension_semantics<core_parallel>, #tpu.dimension_semantics<subcore_parallel>], iteration_bounds = array<i64: 2, 16>, scalar_prefetch = 0 : i64, scratch_operands = 7 : i64, tpu.core_type = #tpu.core_type<sc_vector_subcore>, window_params = [{transform_indices = #map}, {transform_indices = #map1}, {transform_indices = #map}]} {
    %mul3A = arith.constant 2 : i32
    %mul3A_0 = arith.muli %arg1, %mul3A : i32
    %add3A = arith.addi %mul3A_0, %arg0 : i32
    %mul3A_1 = arith.constant 1152 : i32
    %mul3A_2 = arith.muli %add3A, %mul3A_1 : i32
    "tpu.region"() ({
      %run_scoped3A = tpu.sem_alloc : memref<!tpu.dma_semaphore, #tpu.memory_space<semaphore_mem>>
      %dma_start3A_121 = tpu.memref_slice %arg3[%mul3A_2] : memref<36864xi32, #tpu.memory_space<hbm>> -> memref<1152xi32, #tpu.memory_space<hbm>>
      %dma_start3A_122 = tpu.memref_slice %arg3[%mul3A_2] : memref<36864xi32, #tpu.memory_space<hbm>> -> memref<1152xi32, #tpu.memory_space<hbm>>
      tpu.enqueue_dma source(%dma_start3A_122 : memref<1152xi32, #tpu.memory_space<hbm>>) target(%arg5 : memref<1152xi32, #tpu.memory_space<vmem>>) target_semaphore(%run_scoped3A : memref<!tpu.dma_semaphore, #tpu.memory_space<semaphore_mem>>)
      %dma_wait3A_123 = tpu.memref_slice %arg3[%mul3A_2] : memref<36864xi32, #tpu.memory_space<hbm>> -> memref<1152xi32, #tpu.memory_space<hbm>>
      %dma_wait3A_124 = tpu.memref_slice %arg3[%mul3A_2] : memref<36864xi32, #tpu.memory_space<hbm>> -> memref<1152xi32, #tpu.memory_space<hbm>>
      tpu.wait_dma2 semaphore(%run_scoped3A : memref<!tpu.dma_semaphore, #tpu.memory_space<semaphore_mem>>) src(%dma_wait3A_124 : memref<1152xi32, #tpu.memory_space<hbm>>) dst(%arg5 : memref<1152xi32, #tpu.memory_space<vmem>>)
      tpu.yield
    }) : () -> ()
    %dma_start3A = arith.constant 0 : i32
    %dma_start3A_3 = tpu.memref_slice %arg5[%dma_start3A] : memref<1152xi32, #tpu.memory_space<vmem>> -> memref<192xi32, #tpu.memory_space<vmem>>
    %dma_start3A_4 = arith.constant 0 : i32
    %dma_start3A_5 = arith.constant 0 : i32
    %dma_start3A_6 = tpu.memref_slice %arg2[%dma_start3A_4, %dma_start3A_5] : memref<8192x256xf32, #tpu.memory_space<hbm>> -> memref<8192x256xf32, #tpu.memory_space<hbm>>
    tpu.enqueue_indirect_dma source(%dma_start3A_6 : memref<8192x256xf32, #tpu.memory_space<hbm>>) target(%arg6 : memref<192x256xf32, #tpu.memory_space<vmem>>) offsets(%dma_start3A_3 : memref<192xi32, #tpu.memory_space<vmem>>) semaphore(%arg8 : memref<!tpu.dma_semaphore, #tpu.memory_space<semaphore_mem>>)
    %dma_start3A_7 = arith.constant 192 : i32
    %dma_start3A_8 = tpu.memref_slice %arg5[%dma_start3A_7] : memref<1152xi32, #tpu.memory_space<vmem>> -> memref<192xi32, #tpu.memory_space<vmem>>
    %dma_start3A_9 = arith.constant 0 : i32
    %dma_start3A_10 = arith.constant 0 : i32
    %dma_start3A_11 = tpu.memref_slice %arg2[%dma_start3A_9, %dma_start3A_10] : memref<8192x256xf32, #tpu.memory_space<hbm>> -> memref<8192x256xf32, #tpu.memory_space<hbm>>
    tpu.enqueue_indirect_dma source(%dma_start3A_11 : memref<8192x256xf32, #tpu.memory_space<hbm>>) target(%arg7 : memref<192x256xf32, #tpu.memory_space<vmem>>) offsets(%dma_start3A_8 : memref<192xi32, #tpu.memory_space<vmem>>) semaphore(%arg9 : memref<!tpu.dma_semaphore, #tpu.memory_space<semaphore_mem>>)
    %dma_wait3A = arith.constant 0 : i32
    %dma_wait3A_12 = tpu.memref_slice %arg5[%dma_wait3A] : memref<1152xi32, #tpu.memory_space<vmem>> -> memref<192xi32, #tpu.memory_space<vmem>>
    %dma_wait3A_13 = arith.constant 0 : i32
    %dma_wait3A_14 = arith.constant 0 : i32
    %dma_wait3A_15 = tpu.memref_slice %arg2[%dma_wait3A_13, %dma_wait3A_14] : memref<8192x256xf32, #tpu.memory_space<hbm>> -> memref<8192x256xf32, #tpu.memory_space<hbm>>
    tpu.wait_indirect_dma semaphore(%arg8 : memref<!tpu.dma_semaphore, #tpu.memory_space<semaphore_mem>>) src(%dma_wait3A_15 : memref<8192x256xf32, #tpu.memory_space<hbm>>) dst(%arg6 : memref<192x256xf32, #tpu.memory_space<vmem>>)
    %add3A_16 = arith.constant 0 : i32
    %add3A_17 = arith.addi %mul3A_2, %add3A_16 : i32
    %dma_start3A_18 = arith.constant 0 : i32
    %dma_start3A_19 = tpu.memref_slice %arg4[%add3A_17, %dma_start3A_18] : memref<36864x256xf32, #tpu.memory_space<hbm>> -> memref<192x256xf32, #tpu.memory_space<hbm>>
    %dma_start3A_20 = arith.constant 0 : i32
    %dma_start3A_21 = tpu.memref_slice %arg4[%add3A_17, %dma_start3A_20] : memref<36864x256xf32, #tpu.memory_space<hbm>> -> memref<192x256xf32, #tpu.memory_space<hbm>>
    tpu.enqueue_dma source(%arg6 : memref<192x256xf32, #tpu.memory_space<vmem>>) target(%dma_start3A_21 : memref<192x256xf32, #tpu.memory_space<hbm>>) target_semaphore(%arg10 : memref<!tpu.dma_semaphore, #tpu.memory_space<semaphore_mem>>)
    %dma_wait3A_22 = arith.constant 0 : i32
    %dma_wait3A_23 = tpu.memref_slice %arg4[%add3A_17, %dma_wait3A_22] : memref<36864x256xf32, #tpu.memory_space<hbm>> -> memref<192x256xf32, #tpu.memory_space<hbm>>
    %dma_wait3A_24 = arith.constant 0 : i32
    %dma_wait3A_25 = tpu.memref_slice %arg4[%add3A_17, %dma_wait3A_24] : memref<36864x256xf32, #tpu.memory_space<hbm>> -> memref<192x256xf32, #tpu.memory_space<hbm>>
    tpu.wait_dma2 semaphore(%arg10 : memref<!tpu.dma_semaphore, #tpu.memory_space<semaphore_mem>>) src(%arg6 : memref<192x256xf32, #tpu.memory_space<vmem>>) dst(%dma_wait3A_25 : memref<192x256xf32, #tpu.memory_space<hbm>>)
    %dma_start3A_26 = arith.constant 384 : i32
    %dma_start3A_27 = tpu.memref_slice %arg5[%dma_start3A_26] : memref<1152xi32, #tpu.memory_space<vmem>> -> memref<192xi32, #tpu.memory_space<vmem>>
    %dma_start3A_28 = arith.constant 0 : i32
    %dma_start3A_29 = arith.constant 0 : i32
    %dma_start3A_30 = tpu.memref_slice %arg2[%dma_start3A_28, %dma_start3A_29] : memref<8192x256xf32, #tpu.memory_space<hbm>> -> memref<8192x256xf32, #tpu.memory_space<hbm>>
    tpu.enqueue_indirect_dma source(%dma_start3A_30 : memref<8192x256xf32, #tpu.memory_space<hbm>>) target(%arg6 : memref<192x256xf32, #tpu.memory_space<vmem>>) offsets(%dma_start3A_27 : memref<192xi32, #tpu.memory_space<vmem>>) semaphore(%arg8 : memref<!tpu.dma_semaphore, #tpu.memory_space<semaphore_mem>>)
    %dma_wait3A_31 = arith.constant 192 : i32
    %dma_wait3A_32 = tpu.memref_slice %arg5[%dma_wait3A_31] : memref<1152xi32, #tpu.memory_space<vmem>> -> memref<192xi32, #tpu.memory_space<vmem>>
    %dma_wait3A_33 = arith.constant 0 : i32
    %dma_wait3A_34 = arith.constant 0 : i32
    %dma_wait3A_35 = tpu.memref_slice %arg2[%dma_wait3A_33, %dma_wait3A_34] : memref<8192x256xf32, #tpu.memory_space<hbm>> -> memref<8192x256xf32, #tpu.memory_space<hbm>>
    tpu.wait_indirect_dma semaphore(%arg9 : memref<!tpu.dma_semaphore, #tpu.memory_space<semaphore_mem>>) src(%dma_wait3A_35 : memref<8192x256xf32, #tpu.memory_space<hbm>>) dst(%arg7 : memref<192x256xf32, #tpu.memory_space<vmem>>)
    %add3A_36 = arith.constant 192 : i32
    %add3A_37 = arith.addi %mul3A_2, %add3A_36 : i32
    %dma_start3A_38 = arith.constant 0 : i32
    %dma_start3A_39 = tpu.memref_slice %arg4[%add3A_37, %dma_start3A_38] : memref<36864x256xf32, #tpu.memory_space<hbm>> -> memref<192x256xf32, #tpu.memory_space<hbm>>
    %dma_start3A_40 = arith.constant 0 : i32
    %dma_start3A_41 = tpu.memref_slice %arg4[%add3A_37, %dma_start3A_40] : memref<36864x256xf32, #tpu.memory_space<hbm>> -> memref<192x256xf32, #tpu.memory_space<hbm>>
    tpu.enqueue_dma source(%arg7 : memref<192x256xf32, #tpu.memory_space<vmem>>) target(%dma_start3A_41 : memref<192x256xf32, #tpu.memory_space<hbm>>) target_semaphore(%arg11 : memref<!tpu.dma_semaphore, #tpu.memory_space<semaphore_mem>>)
    %dma_wait3A_42 = arith.constant 0 : i32
    %dma_wait3A_43 = tpu.memref_slice %arg4[%add3A_37, %dma_wait3A_42] : memref<36864x256xf32, #tpu.memory_space<hbm>> -> memref<192x256xf32, #tpu.memory_space<hbm>>
    %dma_wait3A_44 = arith.constant 0 : i32
    %dma_wait3A_45 = tpu.memref_slice %arg4[%add3A_37, %dma_wait3A_44] : memref<36864x256xf32, #tpu.memory_space<hbm>> -> memref<192x256xf32, #tpu.memory_space<hbm>>
    tpu.wait_dma2 semaphore(%arg11 : memref<!tpu.dma_semaphore, #tpu.memory_space<semaphore_mem>>) src(%arg7 : memref<192x256xf32, #tpu.memory_space<vmem>>) dst(%dma_wait3A_45 : memref<192x256xf32, #tpu.memory_space<hbm>>)
    %dma_start3A_46 = arith.constant 576 : i32
    %dma_start3A_47 = tpu.memref_slice %arg5[%dma_start3A_46] : memref<1152xi32, #tpu.memory_space<vmem>> -> memref<192xi32, #tpu.memory_space<vmem>>
    %dma_start3A_48 = arith.constant 0 : i32
    %dma_start3A_49 = arith.constant 0 : i32
    %dma_start3A_50 = tpu.memref_slice %arg2[%dma_start3A_48, %dma_start3A_49] : memref<8192x256xf32, #tpu.memory_space<hbm>> -> memref<8192x256xf32, #tpu.memory_space<hbm>>
    tpu.enqueue_indirect_dma source(%dma_start3A_50 : memref<8192x256xf32, #tpu.memory_space<hbm>>) target(%arg7 : memref<192x256xf32, #tpu.memory_space<vmem>>) offsets(%dma_start3A_47 : memref<192xi32, #tpu.memory_space<vmem>>) semaphore(%arg9 : memref<!tpu.dma_semaphore, #tpu.memory_space<semaphore_mem>>)
    %dma_wait3A_51 = arith.constant 384 : i32
    %dma_wait3A_52 = tpu.memref_slice %arg5[%dma_wait3A_51] : memref<1152xi32, #tpu.memory_space<vmem>> -> memref<192xi32, #tpu.memory_space<vmem>>
    %dma_wait3A_53 = arith.constant 0 : i32
    %dma_wait3A_54 = arith.constant 0 : i32
    %dma_wait3A_55 = tpu.memref_slice %arg2[%dma_wait3A_53, %dma_wait3A_54] : memref<8192x256xf32, #tpu.memory_space<hbm>> -> memref<8192x256xf32, #tpu.memory_space<hbm>>
    tpu.wait_indirect_dma semaphore(%arg8 : memref<!tpu.dma_semaphore, #tpu.memory_space<semaphore_mem>>) src(%dma_wait3A_55 : memref<8192x256xf32, #tpu.memory_space<hbm>>) dst(%arg6 : memref<192x256xf32, #tpu.memory_space<vmem>>)
    %add3A_56 = arith.constant 384 : i32
    %add3A_57 = arith.addi %mul3A_2, %add3A_56 : i32
    %dma_start3A_58 = arith.constant 0 : i32
    %dma_start3A_59 = tpu.memref_slice %arg4[%add3A_57, %dma_start3A_58] : memref<36864x256xf32, #tpu.memory_space<hbm>> -> memref<192x256xf32, #tpu.memory_space<hbm>>
    %dma_start3A_60 = arith.constant 0 : i32
    %dma_start3A_61 = tpu.memref_slice %arg4[%add3A_57, %dma_start3A_60] : memref<36864x256xf32, #tpu.memory_space<hbm>> -> memref<192x256xf32, #tpu.memory_space<hbm>>
    tpu.enqueue_dma source(%arg6 : memref<192x256xf32, #tpu.memory_space<vmem>>) target(%dma_start3A_61 : memref<192x256xf32, #tpu.memory_space<hbm>>) target_semaphore(%arg10 : memref<!tpu.dma_semaphore, #tpu.memory_space<semaphore_mem>>)
    %dma_wait3A_62 = arith.constant 0 : i32
    %dma_wait3A_63 = tpu.memref_slice %arg4[%add3A_57, %dma_wait3A_62] : memref<36864x256xf32, #tpu.memory_space<hbm>> -> memref<192x256xf32, #tpu.memory_space<hbm>>
    %dma_wait3A_64 = arith.constant 0 : i32
    %dma_wait3A_65 = tpu.memref_slice %arg4[%add3A_57, %dma_wait3A_64] : memref<36864x256xf32, #tpu.memory_space<hbm>> -> memref<192x256xf32, #tpu.memory_space<hbm>>
    tpu.wait_dma2 semaphore(%arg10 : memref<!tpu.dma_semaphore, #tpu.memory_space<semaphore_mem>>) src(%arg6 : memref<192x256xf32, #tpu.memory_space<vmem>>) dst(%dma_wait3A_65 : memref<192x256xf32, #tpu.memory_space<hbm>>)
    %dma_start3A_66 = arith.constant 768 : i32
    %dma_start3A_67 = tpu.memref_slice %arg5[%dma_start3A_66] : memref<1152xi32, #tpu.memory_space<vmem>> -> memref<192xi32, #tpu.memory_space<vmem>>
    %dma_start3A_68 = arith.constant 0 : i32
    %dma_start3A_69 = arith.constant 0 : i32
    %dma_start3A_70 = tpu.memref_slice %arg2[%dma_start3A_68, %dma_start3A_69] : memref<8192x256xf32, #tpu.memory_space<hbm>> -> memref<8192x256xf32, #tpu.memory_space<hbm>>
    tpu.enqueue_indirect_dma source(%dma_start3A_70 : memref<8192x256xf32, #tpu.memory_space<hbm>>) target(%arg6 : memref<192x256xf32, #tpu.memory_space<vmem>>) offsets(%dma_start3A_67 : memref<192xi32, #tpu.memory_space<vmem>>) semaphore(%arg8 : memref<!tpu.dma_semaphore, #tpu.memory_space<semaphore_mem>>)
    %dma_wait3A_71 = arith.constant 576 : i32
    %dma_wait3A_72 = tpu.memref_slice %arg5[%dma_wait3A_71] : memref<1152xi32, #tpu.memory_space<vmem>> -> memref<192xi32, #tpu.memory_space<vmem>>
    %dma_wait3A_73 = arith.constant 0 : i32
    %dma_wait3A_74 = arith.constant 0 : i32
    %dma_wait3A_75 = tpu.memref_slice %arg2[%dma_wait3A_73, %dma_wait3A_74] : memref<8192x256xf32, #tpu.memory_space<hbm>> -> memref<8192x256xf32, #tpu.memory_space<hbm>>
    tpu.wait_indirect_dma semaphore(%arg9 : memref<!tpu.dma_semaphore, #tpu.memory_space<semaphore_mem>>) src(%dma_wait3A_75 : memref<8192x256xf32, #tpu.memory_space<hbm>>) dst(%arg7 : memref<192x256xf32, #tpu.memory_space<vmem>>)
    %add3A_76 = arith.constant 576 : i32
    %add3A_77 = arith.addi %mul3A_2, %add3A_76 : i32
    %dma_start3A_78 = arith.constant 0 : i32
    %dma_start3A_79 = tpu.memref_slice %arg4[%add3A_77, %dma_start3A_78] : memref<36864x256xf32, #tpu.memory_space<hbm>> -> memref<192x256xf32, #tpu.memory_space<hbm>>
    %dma_start3A_80 = arith.constant 0 : i32
    %dma_start3A_81 = tpu.memref_slice %arg4[%add3A_77, %dma_start3A_80] : memref<36864x256xf32, #tpu.memory_space<hbm>> -> memref<192x256xf32, #tpu.memory_space<hbm>>
    tpu.enqueue_dma source(%arg7 : memref<192x256xf32, #tpu.memory_space<vmem>>) target(%dma_start3A_81 : memref<192x256xf32, #tpu.memory_space<hbm>>) target_semaphore(%arg11 : memref<!tpu.dma_semaphore, #tpu.memory_space<semaphore_mem>>)
    %dma_wait3A_82 = arith.constant 0 : i32
    %dma_wait3A_83 = tpu.memref_slice %arg4[%add3A_77, %dma_wait3A_82] : memref<36864x256xf32, #tpu.memory_space<hbm>> -> memref<192x256xf32, #tpu.memory_space<hbm>>
    %dma_wait3A_84 = arith.constant 0 : i32
    %dma_wait3A_85 = tpu.memref_slice %arg4[%add3A_77, %dma_wait3A_84] : memref<36864x256xf32, #tpu.memory_space<hbm>> -> memref<192x256xf32, #tpu.memory_space<hbm>>
    tpu.wait_dma2 semaphore(%arg11 : memref<!tpu.dma_semaphore, #tpu.memory_space<semaphore_mem>>) src(%arg7 : memref<192x256xf32, #tpu.memory_space<vmem>>) dst(%dma_wait3A_85 : memref<192x256xf32, #tpu.memory_space<hbm>>)
    %dma_start3A_86 = arith.constant 960 : i32
    %dma_start3A_87 = tpu.memref_slice %arg5[%dma_start3A_86] : memref<1152xi32, #tpu.memory_space<vmem>> -> memref<192xi32, #tpu.memory_space<vmem>>
    %dma_start3A_88 = arith.constant 0 : i32
    %dma_start3A_89 = arith.constant 0 : i32
    %dma_start3A_90 = tpu.memref_slice %arg2[%dma_start3A_88, %dma_start3A_89] : memref<8192x256xf32, #tpu.memory_space<hbm>> -> memref<8192x256xf32, #tpu.memory_space<hbm>>
    tpu.enqueue_indirect_dma source(%dma_start3A_90 : memref<8192x256xf32, #tpu.memory_space<hbm>>) target(%arg7 : memref<192x256xf32, #tpu.memory_space<vmem>>) offsets(%dma_start3A_87 : memref<192xi32, #tpu.memory_space<vmem>>) semaphore(%arg9 : memref<!tpu.dma_semaphore, #tpu.memory_space<semaphore_mem>>)
    %dma_wait3A_91 = arith.constant 768 : i32
    %dma_wait3A_92 = tpu.memref_slice %arg5[%dma_wait3A_91] : memref<1152xi32, #tpu.memory_space<vmem>> -> memref<192xi32, #tpu.memory_space<vmem>>
    %dma_wait3A_93 = arith.constant 0 : i32
    %dma_wait3A_94 = arith.constant 0 : i32
    %dma_wait3A_95 = tpu.memref_slice %arg2[%dma_wait3A_93, %dma_wait3A_94] : memref<8192x256xf32, #tpu.memory_space<hbm>> -> memref<8192x256xf32, #tpu.memory_space<hbm>>
    tpu.wait_indirect_dma semaphore(%arg8 : memref<!tpu.dma_semaphore, #tpu.memory_space<semaphore_mem>>) src(%dma_wait3A_95 : memref<8192x256xf32, #tpu.memory_space<hbm>>) dst(%arg6 : memref<192x256xf32, #tpu.memory_space<vmem>>)
    %add3A_96 = arith.constant 768 : i32
    %add3A_97 = arith.addi %mul3A_2, %add3A_96 : i32
    %dma_start3A_98 = arith.constant 0 : i32
    %dma_start3A_99 = tpu.memref_slice %arg4[%add3A_97, %dma_start3A_98] : memref<36864x256xf32, #tpu.memory_space<hbm>> -> memref<192x256xf32, #tpu.memory_space<hbm>>
    %dma_start3A_100 = arith.constant 0 : i32
    %dma_start3A_101 = tpu.memref_slice %arg4[%add3A_97, %dma_start3A_100] : memref<36864x256xf32, #tpu.memory_space<hbm>> -> memref<192x256xf32, #tpu.memory_space<hbm>>
    tpu.enqueue_dma source(%arg6 : memref<192x256xf32, #tpu.memory_space<vmem>>) target(%dma_start3A_101 : memref<192x256xf32, #tpu.memory_space<hbm>>) target_semaphore(%arg10 : memref<!tpu.dma_semaphore, #tpu.memory_space<semaphore_mem>>)
    %dma_wait3A_102 = arith.constant 960 : i32
    %dma_wait3A_103 = tpu.memref_slice %arg5[%dma_wait3A_102] : memref<1152xi32, #tpu.memory_space<vmem>> -> memref<192xi32, #tpu.memory_space<vmem>>
    %dma_wait3A_104 = arith.constant 0 : i32
    %dma_wait3A_105 = arith.constant 0 : i32
    %dma_wait3A_106 = tpu.memref_slice %arg2[%dma_wait3A_104, %dma_wait3A_105] : memref<8192x256xf32, #tpu.memory_space<hbm>> -> memref<8192x256xf32, #tpu.memory_space<hbm>>
    tpu.wait_indirect_dma semaphore(%arg9 : memref<!tpu.dma_semaphore, #tpu.memory_space<semaphore_mem>>) src(%dma_wait3A_106 : memref<8192x256xf32, #tpu.memory_space<hbm>>) dst(%arg7 : memref<192x256xf32, #tpu.memory_space<vmem>>)
    %add3A_107 = arith.constant 960 : i32
    %add3A_108 = arith.addi %mul3A_2, %add3A_107 : i32
    %dma_start3A_109 = arith.constant 0 : i32
    %dma_start3A_110 = tpu.memref_slice %arg4[%add3A_108, %dma_start3A_109] : memref<36864x256xf32, #tpu.memory_space<hbm>> -> memref<192x256xf32, #tpu.memory_space<hbm>>
    %dma_start3A_111 = arith.constant 0 : i32
    %dma_start3A_112 = tpu.memref_slice %arg4[%add3A_108, %dma_start3A_111] : memref<36864x256xf32, #tpu.memory_space<hbm>> -> memref<192x256xf32, #tpu.memory_space<hbm>>
    tpu.enqueue_dma source(%arg7 : memref<192x256xf32, #tpu.memory_space<vmem>>) target(%dma_start3A_112 : memref<192x256xf32, #tpu.memory_space<hbm>>) target_semaphore(%arg11 : memref<!tpu.dma_semaphore, #tpu.memory_space<semaphore_mem>>)
    %dma_wait3A_113 = arith.constant 0 : i32
    %dma_wait3A_114 = tpu.memref_slice %arg4[%add3A_97, %dma_wait3A_113] : memref<36864x256xf32, #tpu.memory_space<hbm>> -> memref<192x256xf32, #tpu.memory_space<hbm>>
    %dma_wait3A_115 = arith.constant 0 : i32
    %dma_wait3A_116 = tpu.memref_slice %arg4[%add3A_97, %dma_wait3A_115] : memref<36864x256xf32, #tpu.memory_space<hbm>> -> memref<192x256xf32, #tpu.memory_space<hbm>>
    tpu.wait_dma2 semaphore(%arg10 : memref<!tpu.dma_semaphore, #tpu.memory_space<semaphore_mem>>) src(%arg6 : memref<192x256xf32, #tpu.memory_space<vmem>>) dst(%dma_wait3A_116 : memref<192x256xf32, #tpu.memory_space<hbm>>)
    %dma_wait3A_117 = arith.constant 0 : i32
    %dma_wait3A_118 = tpu.memref_slice %arg4[%add3A_108, %dma_wait3A_117] : memref<36864x256xf32, #tpu.memory_space<hbm>> -> memref<192x256xf32, #tpu.memory_space<hbm>>
    %dma_wait3A_119 = arith.constant 0 : i32
    %dma_wait3A_120 = tpu.memref_slice %arg4[%add3A_108, %dma_wait3A_119] : memref<36864x256xf32, #tpu.memory_space<hbm>> -> memref<192x256xf32, #tpu.memory_space<hbm>>
    tpu.wait_dma2 semaphore(%arg11 : memref<!tpu.dma_semaphore, #tpu.memory_space<semaphore_mem>>) src(%arg7 : memref<192x256xf32, #tpu.memory_space<vmem>>) dst(%dma_wait3A_120 : memref<192x256xf32, #tpu.memory_space<hbm>>)
    return
  }
}

module attributes {stable_mosaic.version = 14 : i64} {
  func.func @_argmin_body(%arg0: i32, %arg1: memref<1152x256xf32, #tpu.memory_space<vmem>>, %arg2: memref<8192x256xf32, #tpu.memory_space<vmem>>, %arg3: memref<1x9x128xi32, #tpu.memory_space<vmem>>, %arg4: memref<1x1x128xf32, #tpu.memory_space<vmem>>) attributes {dimension_semantics = [#tpu.dimension_semantics<arbitrary>], iteration_bounds = array<i64: 32>, scalar_prefetch = 0 : i64, scratch_operands = 0 : i64, tpu.core_type = #tpu.core_type<tc>, window_params = [{transform_indices = @transform_0, window_bounds = array<i64: 1152, 256>}, {pipeline_mode = #tpu.pipeline_mode<synchronous>, transform_indices = @transform_1, window_bounds = array<i64: 8192, 256>}, {transform_indices = @transform_2, window_bounds = array<i64: 1, 9, 128>}, {transform_indices = @transform_3, window_bounds = array<i64: 1, 1, 128>}]} {
    %get3A = arith.constant 0 : index
    %get3A_0 = arith.constant 0 : index
    %get3A_1 = vector.load %arg1[%get3A, %get3A_0] : memref<1152x256xf32, #tpu.memory_space<vmem>>, vector<1152x256xf32>
    %mul3A = arith.mulf %get3A_1, %get3A_1 : vector<1152x256xf32>
    %reduce_sum3A = arith.constant dense<0.000000e+00> : vector<1152xf32>
    %reduce_sum3A_2 = vector.multi_reduction <add>, %mul3A, %reduce_sum3A [1] : vector<1152x256xf32> to vector<1152xf32>
    %broadcast_in_dim3A = vector.shape_cast %reduce_sum3A_2 : vector<1152xf32> to vector<1152x1xf32>
    %bitcast_convert_type3A = tpu.bitcast %broadcast_in_dim3A : vector<1152x1xf32> -> vector<1152x1xi32>
    %iota3A = tpu.iota {dimensions = array<i32: 1>} : vector<1152x512xi32>
    %shift_left3A = arith.constant 13 : i32
    %shift_left3A_3 = vector.broadcast %shift_left3A : i32 to vector<1152x1xi32>
    %shift_left3A_4 = arith.shli %bitcast_convert_type3A, %shift_left3A_3 : vector<1152x1xi32>
    %sub3A = arith.constant 1073741824 : i32
    %sub3A_5 = vector.broadcast %sub3A : i32 to vector<1152x1xi32>
    %sub3A_6 = arith.subi %sub3A_5, %shift_left3A_4 : vector<1152x1xi32>
    %add3A = vector.broadcast %sub3A_6 : vector<1152x1xi32> to vector<1152x512xi32>
    %add3A_7 = arith.addi %iota3A, %add3A : vector<1152x512xi32>
    %broadcast_in_dim3A_8 = arith.constant 0x7F800000 : f32
    %broadcast_in_dim3A_9 = vector.broadcast %broadcast_in_dim3A_8 : f32 to vector<1152x1xf32>
    %add3A_10 = arith.addf %get3A_1, %get3A_1 : vector<1152x256xf32>
    %get3A_11 = arith.constant 0 : index
    %get3A_12 = arith.constant 0 : index
    %get3A_13 = vector.load %arg2[%get3A_11, %get3A_12] : memref<8192x256xf32, #tpu.memory_space<vmem>>, vector<512x256xf32>
    %dot_general3A = arith.constant dense<0.000000e+00> : vector<1152x512xf32>
    %dot_general3A_14 = tpu.matmul %add3A_10, %get3A_13, %dot_general3A {dimension_numbers = #tpu.dot_dimension_numbers<[1], [1], [0], [0], [0, 0, 1, 0], [], []>, transpose_lhs_hint = false} : vector<1152x256xf32>, vector<512x256xf32>, vector<1152x512xf32> -> vector<1152x512xf32>
    %sub3A_15 = vector.broadcast %broadcast_in_dim3A : vector<1152x1xf32> to vector<1152x512xf32>
    %sub3A_16 = arith.subf %sub3A_15, %dot_general3A_14 : vector<1152x512xf32>
    %bitcast_convert_type3A_17 = tpu.bitcast %sub3A_16 : vector<1152x512xf32> -> vector<1152x512xi32>
    %shift_left3A_18 = arith.constant 13 : i32
    %shift_left3A_19 = vector.broadcast %shift_left3A_18 : i32 to vector<1152x512xi32>
    %shift_left3A_20 = arith.shli %bitcast_convert_type3A_17, %shift_left3A_19 : vector<1152x512xi32>
    %add3A_21 = arith.addi %shift_left3A_20, %add3A_7 : vector<1152x512xi32>
    %bitcast_convert_type3A_22 = tpu.bitcast %add3A_21 : vector<1152x512xi32> -> vector<1152x512xf32>
    %reduce_min3A = arith.constant dense<0x7F800000> : vector<1152xf32>
    %reduce_min3A_23 = vector.multi_reduction <minimumf>, %bitcast_convert_type3A_22, %reduce_min3A [1] : vector<1152x512xf32> to vector<1152xf32>
    %broadcast_in_dim3A_24 = vector.shape_cast %reduce_min3A_23 : vector<1152xf32> to vector<1152x1xf32>
    %bitcast_convert_type3A_25 = tpu.bitcast %broadcast_in_dim3A_24 : vector<1152x1xf32> -> vector<1152x1xi32>
    %add3A_26 = arith.constant 0 : i32
    %add3A_27 = vector.broadcast %add3A_26 : i32 to vector<1152x1xi32>
    %add3A_28 = arith.addi %bitcast_convert_type3A_25, %add3A_27 : vector<1152x1xi32>
    %bitcast_convert_type3A_29 = tpu.bitcast %add3A_28 : vector<1152x1xi32> -> vector<1152x1xf32>
    %min3A = arith.minimumf %broadcast_in_dim3A_9, %bitcast_convert_type3A_29 : vector<1152x1xf32>
    %get3A_30 = arith.constant 512 : index
    %get3A_31 = arith.constant 0 : index
    %get3A_32 = vector.load %arg2[%get3A_30, %get3A_31] : memref<8192x256xf32, #tpu.memory_space<vmem>>, vector<512x256xf32>
    %dot_general3A_33 = arith.constant dense<0.000000e+00> : vector<1152x512xf32>
    %dot_general3A_34 = tpu.matmul %add3A_10, %get3A_32, %dot_general3A_33 {dimension_numbers = #tpu.dot_dimension_numbers<[1], [1], [0], [0], [0, 0, 1, 0], [], []>, transpose_lhs_hint = false} : vector<1152x256xf32>, vector<512x256xf32>, vector<1152x512xf32> -> vector<1152x512xf32>
    %sub3A_35 = vector.broadcast %broadcast_in_dim3A : vector<1152x1xf32> to vector<1152x512xf32>
    %sub3A_36 = arith.subf %sub3A_35, %dot_general3A_34 : vector<1152x512xf32>
    %bitcast_convert_type3A_37 = tpu.bitcast %sub3A_36 : vector<1152x512xf32> -> vector<1152x512xi32>
    %shift_left3A_38 = arith.constant 13 : i32
    %shift_left3A_39 = vector.broadcast %shift_left3A_38 : i32 to vector<1152x512xi32>
    %shift_left3A_40 = arith.shli %bitcast_convert_type3A_37, %shift_left3A_39 : vector<1152x512xi32>
    %add3A_41 = arith.addi %shift_left3A_40, %add3A_7 : vector<1152x512xi32>
    %bitcast_convert_type3A_42 = tpu.bitcast %add3A_41 : vector<1152x512xi32> -> vector<1152x512xf32>
    %reduce_min3A_43 = arith.constant dense<0x7F800000> : vector<1152xf32>
    %reduce_min3A_44 = vector.multi_reduction <minimumf>, %bitcast_convert_type3A_42, %reduce_min3A_43 [1] : vector<1152x512xf32> to vector<1152xf32>
    %broadcast_in_dim3A_45 = vector.shape_cast %reduce_min3A_44 : vector<1152xf32> to vector<1152x1xf32>
    %bitcast_convert_type3A_46 = tpu.bitcast %broadcast_in_dim3A_45 : vector<1152x1xf32> -> vector<1152x1xi32>
    %add3A_47 = arith.constant 512 : i32
    %add3A_48 = vector.broadcast %add3A_47 : i32 to vector<1152x1xi32>
    %add3A_49 = arith.addi %bitcast_convert_type3A_46, %add3A_48 : vector<1152x1xi32>
    %bitcast_convert_type3A_50 = tpu.bitcast %add3A_49 : vector<1152x1xi32> -> vector<1152x1xf32>
    %min3A_51 = arith.minimumf %min3A, %bitcast_convert_type3A_50 : vector<1152x1xf32>
    %get3A_52 = arith.constant 1024 : index
    %get3A_53 = arith.constant 0 : index
    %get3A_54 = vector.load %arg2[%get3A_52, %get3A_53] : memref<8192x256xf32, #tpu.memory_space<vmem>>, vector<512x256xf32>
    %dot_general3A_55 = arith.constant dense<0.000000e+00> : vector<1152x512xf32>
    %dot_general3A_56 = tpu.matmul %add3A_10, %get3A_54, %dot_general3A_55 {dimension_numbers = #tpu.dot_dimension_numbers<[1], [1], [0], [0], [0, 0, 1, 0], [], []>, transpose_lhs_hint = false} : vector<1152x256xf32>, vector<512x256xf32>, vector<1152x512xf32> -> vector<1152x512xf32>
    %sub3A_57 = vector.broadcast %broadcast_in_dim3A : vector<1152x1xf32> to vector<1152x512xf32>
    %sub3A_58 = arith.subf %sub3A_57, %dot_general3A_56 : vector<1152x512xf32>
    %bitcast_convert_type3A_59 = tpu.bitcast %sub3A_58 : vector<1152x512xf32> -> vector<1152x512xi32>
    %shift_left3A_60 = arith.constant 13 : i32
    %shift_left3A_61 = vector.broadcast %shift_left3A_60 : i32 to vector<1152x512xi32>
    %shift_left3A_62 = arith.shli %bitcast_convert_type3A_59, %shift_left3A_61 : vector<1152x512xi32>
    %add3A_63 = arith.addi %shift_left3A_62, %add3A_7 : vector<1152x512xi32>
    %bitcast_convert_type3A_64 = tpu.bitcast %add3A_63 : vector<1152x512xi32> -> vector<1152x512xf32>
    %reduce_min3A_65 = arith.constant dense<0x7F800000> : vector<1152xf32>
    %reduce_min3A_66 = vector.multi_reduction <minimumf>, %bitcast_convert_type3A_64, %reduce_min3A_65 [1] : vector<1152x512xf32> to vector<1152xf32>
    %broadcast_in_dim3A_67 = vector.shape_cast %reduce_min3A_66 : vector<1152xf32> to vector<1152x1xf32>
    %bitcast_convert_type3A_68 = tpu.bitcast %broadcast_in_dim3A_67 : vector<1152x1xf32> -> vector<1152x1xi32>
    %add3A_69 = arith.constant 1024 : i32
    %add3A_70 = vector.broadcast %add3A_69 : i32 to vector<1152x1xi32>
    %add3A_71 = arith.addi %bitcast_convert_type3A_68, %add3A_70 : vector<1152x1xi32>
    %bitcast_convert_type3A_72 = tpu.bitcast %add3A_71 : vector<1152x1xi32> -> vector<1152x1xf32>
    %min3A_73 = arith.minimumf %min3A_51, %bitcast_convert_type3A_72 : vector<1152x1xf32>
    %get3A_74 = arith.constant 1536 : index
    %get3A_75 = arith.constant 0 : index
    %get3A_76 = vector.load %arg2[%get3A_74, %get3A_75] : memref<8192x256xf32, #tpu.memory_space<vmem>>, vector<512x256xf32>
    %dot_general3A_77 = arith.constant dense<0.000000e+00> : vector<1152x512xf32>
    %dot_general3A_78 = tpu.matmul %add3A_10, %get3A_76, %dot_general3A_77 {dimension_numbers = #tpu.dot_dimension_numbers<[1], [1], [0], [0], [0, 0, 1, 0], [], []>, transpose_lhs_hint = false} : vector<1152x256xf32>, vector<512x256xf32>, vector<1152x512xf32> -> vector<1152x512xf32>
    %sub3A_79 = vector.broadcast %broadcast_in_dim3A : vector<1152x1xf32> to vector<1152x512xf32>
    %sub3A_80 = arith.subf %sub3A_79, %dot_general3A_78 : vector<1152x512xf32>
    %bitcast_convert_type3A_81 = tpu.bitcast %sub3A_80 : vector<1152x512xf32> -> vector<1152x512xi32>
    %shift_left3A_82 = arith.constant 13 : i32
    %shift_left3A_83 = vector.broadcast %shift_left3A_82 : i32 to vector<1152x512xi32>
    %shift_left3A_84 = arith.shli %bitcast_convert_type3A_81, %shift_left3A_83 : vector<1152x512xi32>
    %add3A_85 = arith.addi %shift_left3A_84, %add3A_7 : vector<1152x512xi32>
    %bitcast_convert_type3A_86 = tpu.bitcast %add3A_85 : vector<1152x512xi32> -> vector<1152x512xf32>
    %reduce_min3A_87 = arith.constant dense<0x7F800000> : vector<1152xf32>
    %reduce_min3A_88 = vector.multi_reduction <minimumf>, %bitcast_convert_type3A_86, %reduce_min3A_87 [1] : vector<1152x512xf32> to vector<1152xf32>
    %broadcast_in_dim3A_89 = vector.shape_cast %reduce_min3A_88 : vector<1152xf32> to vector<1152x1xf32>
    %bitcast_convert_type3A_90 = tpu.bitcast %broadcast_in_dim3A_89 : vector<1152x1xf32> -> vector<1152x1xi32>
    %add3A_91 = arith.constant 1536 : i32
    %add3A_92 = vector.broadcast %add3A_91 : i32 to vector<1152x1xi32>
    %add3A_93 = arith.addi %bitcast_convert_type3A_90, %add3A_92 : vector<1152x1xi32>
    %bitcast_convert_type3A_94 = tpu.bitcast %add3A_93 : vector<1152x1xi32> -> vector<1152x1xf32>
    %min3A_95 = arith.minimumf %min3A_73, %bitcast_convert_type3A_94 : vector<1152x1xf32>
    %get3A_96 = arith.constant 2048 : index
    %get3A_97 = arith.constant 0 : index
    %get3A_98 = vector.load %arg2[%get3A_96, %get3A_97] : memref<8192x256xf32, #tpu.memory_space<vmem>>, vector<512x256xf32>
    %dot_general3A_99 = arith.constant dense<0.000000e+00> : vector<1152x512xf32>
    %dot_general3A_100 = tpu.matmul %add3A_10, %get3A_98, %dot_general3A_99 {dimension_numbers = #tpu.dot_dimension_numbers<[1], [1], [0], [0], [0, 0, 1, 0], [], []>, transpose_lhs_hint = false} : vector<1152x256xf32>, vector<512x256xf32>, vector<1152x512xf32> -> vector<1152x512xf32>
    %sub3A_101 = vector.broadcast %broadcast_in_dim3A : vector<1152x1xf32> to vector<1152x512xf32>
    %sub3A_102 = arith.subf %sub3A_101, %dot_general3A_100 : vector<1152x512xf32>
    %bitcast_convert_type3A_103 = tpu.bitcast %sub3A_102 : vector<1152x512xf32> -> vector<1152x512xi32>
    %shift_left3A_104 = arith.constant 13 : i32
    %shift_left3A_105 = vector.broadcast %shift_left3A_104 : i32 to vector<1152x512xi32>
    %shift_left3A_106 = arith.shli %bitcast_convert_type3A_103, %shift_left3A_105 : vector<1152x512xi32>
    %add3A_107 = arith.addi %shift_left3A_106, %add3A_7 : vector<1152x512xi32>
    %bitcast_convert_type3A_108 = tpu.bitcast %add3A_107 : vector<1152x512xi32> -> vector<1152x512xf32>
    %reduce_min3A_109 = arith.constant dense<0x7F800000> : vector<1152xf32>
    %reduce_min3A_110 = vector.multi_reduction <minimumf>, %bitcast_convert_type3A_108, %reduce_min3A_109 [1] : vector<1152x512xf32> to vector<1152xf32>
    %broadcast_in_dim3A_111 = vector.shape_cast %reduce_min3A_110 : vector<1152xf32> to vector<1152x1xf32>
    %bitcast_convert_type3A_112 = tpu.bitcast %broadcast_in_dim3A_111 : vector<1152x1xf32> -> vector<1152x1xi32>
    %add3A_113 = arith.constant 2048 : i32
    %add3A_114 = vector.broadcast %add3A_113 : i32 to vector<1152x1xi32>
    %add3A_115 = arith.addi %bitcast_convert_type3A_112, %add3A_114 : vector<1152x1xi32>
    %bitcast_convert_type3A_116 = tpu.bitcast %add3A_115 : vector<1152x1xi32> -> vector<1152x1xf32>
    %min3A_117 = arith.minimumf %min3A_95, %bitcast_convert_type3A_116 : vector<1152x1xf32>
    %get3A_118 = arith.constant 2560 : index
    %get3A_119 = arith.constant 0 : index
    %get3A_120 = vector.load %arg2[%get3A_118, %get3A_119] : memref<8192x256xf32, #tpu.memory_space<vmem>>, vector<512x256xf32>
    %dot_general3A_121 = arith.constant dense<0.000000e+00> : vector<1152x512xf32>
    %dot_general3A_122 = tpu.matmul %add3A_10, %get3A_120, %dot_general3A_121 {dimension_numbers = #tpu.dot_dimension_numbers<[1], [1], [0], [0], [0, 0, 1, 0], [], []>, transpose_lhs_hint = false} : vector<1152x256xf32>, vector<512x256xf32>, vector<1152x512xf32> -> vector<1152x512xf32>
    %sub3A_123 = vector.broadcast %broadcast_in_dim3A : vector<1152x1xf32> to vector<1152x512xf32>
    %sub3A_124 = arith.subf %sub3A_123, %dot_general3A_122 : vector<1152x512xf32>
    %bitcast_convert_type3A_125 = tpu.bitcast %sub3A_124 : vector<1152x512xf32> -> vector<1152x512xi32>
    %shift_left3A_126 = arith.constant 13 : i32
    %shift_left3A_127 = vector.broadcast %shift_left3A_126 : i32 to vector<1152x512xi32>
    %shift_left3A_128 = arith.shli %bitcast_convert_type3A_125, %shift_left3A_127 : vector<1152x512xi32>
    %add3A_129 = arith.addi %shift_left3A_128, %add3A_7 : vector<1152x512xi32>
    %bitcast_convert_type3A_130 = tpu.bitcast %add3A_129 : vector<1152x512xi32> -> vector<1152x512xf32>
    %reduce_min3A_131 = arith.constant dense<0x7F800000> : vector<1152xf32>
    %reduce_min3A_132 = vector.multi_reduction <minimumf>, %bitcast_convert_type3A_130, %reduce_min3A_131 [1] : vector<1152x512xf32> to vector<1152xf32>
    %broadcast_in_dim3A_133 = vector.shape_cast %reduce_min3A_132 : vector<1152xf32> to vector<1152x1xf32>
    %bitcast_convert_type3A_134 = tpu.bitcast %broadcast_in_dim3A_133 : vector<1152x1xf32> -> vector<1152x1xi32>
    %add3A_135 = arith.constant 2560 : i32
    %add3A_136 = vector.broadcast %add3A_135 : i32 to vector<1152x1xi32>
    %add3A_137 = arith.addi %bitcast_convert_type3A_134, %add3A_136 : vector<1152x1xi32>
    %bitcast_convert_type3A_138 = tpu.bitcast %add3A_137 : vector<1152x1xi32> -> vector<1152x1xf32>
    %min3A_139 = arith.minimumf %min3A_117, %bitcast_convert_type3A_138 : vector<1152x1xf32>
    %get3A_140 = arith.constant 3072 : index
    %get3A_141 = arith.constant 0 : index
    %get3A_142 = vector.load %arg2[%get3A_140, %get3A_141] : memref<8192x256xf32, #tpu.memory_space<vmem>>, vector<512x256xf32>
    %dot_general3A_143 = arith.constant dense<0.000000e+00> : vector<1152x512xf32>
    %dot_general3A_144 = tpu.matmul %add3A_10, %get3A_142, %dot_general3A_143 {dimension_numbers = #tpu.dot_dimension_numbers<[1], [1], [0], [0], [0, 0, 1, 0], [], []>, transpose_lhs_hint = false} : vector<1152x256xf32>, vector<512x256xf32>, vector<1152x512xf32> -> vector<1152x512xf32>
    %sub3A_145 = vector.broadcast %broadcast_in_dim3A : vector<1152x1xf32> to vector<1152x512xf32>
    %sub3A_146 = arith.subf %sub3A_145, %dot_general3A_144 : vector<1152x512xf32>
    %bitcast_convert_type3A_147 = tpu.bitcast %sub3A_146 : vector<1152x512xf32> -> vector<1152x512xi32>
    %shift_left3A_148 = arith.constant 13 : i32
    %shift_left3A_149 = vector.broadcast %shift_left3A_148 : i32 to vector<1152x512xi32>
    %shift_left3A_150 = arith.shli %bitcast_convert_type3A_147, %shift_left3A_149 : vector<1152x512xi32>
    %add3A_151 = arith.addi %shift_left3A_150, %add3A_7 : vector<1152x512xi32>
    %bitcast_convert_type3A_152 = tpu.bitcast %add3A_151 : vector<1152x512xi32> -> vector<1152x512xf32>
    %reduce_min3A_153 = arith.constant dense<0x7F800000> : vector<1152xf32>
    %reduce_min3A_154 = vector.multi_reduction <minimumf>, %bitcast_convert_type3A_152, %reduce_min3A_153 [1] : vector<1152x512xf32> to vector<1152xf32>
    %broadcast_in_dim3A_155 = vector.shape_cast %reduce_min3A_154 : vector<1152xf32> to vector<1152x1xf32>
    %bitcast_convert_type3A_156 = tpu.bitcast %broadcast_in_dim3A_155 : vector<1152x1xf32> -> vector<1152x1xi32>
    %add3A_157 = arith.constant 3072 : i32
    %add3A_158 = vector.broadcast %add3A_157 : i32 to vector<1152x1xi32>
    %add3A_159 = arith.addi %bitcast_convert_type3A_156, %add3A_158 : vector<1152x1xi32>
    %bitcast_convert_type3A_160 = tpu.bitcast %add3A_159 : vector<1152x1xi32> -> vector<1152x1xf32>
    %min3A_161 = arith.minimumf %min3A_139, %bitcast_convert_type3A_160 : vector<1152x1xf32>
    %get3A_162 = arith.constant 3584 : index
    %get3A_163 = arith.constant 0 : index
    %get3A_164 = vector.load %arg2[%get3A_162, %get3A_163] : memref<8192x256xf32, #tpu.memory_space<vmem>>, vector<512x256xf32>
    %dot_general3A_165 = arith.constant dense<0.000000e+00> : vector<1152x512xf32>
    %dot_general3A_166 = tpu.matmul %add3A_10, %get3A_164, %dot_general3A_165 {dimension_numbers = #tpu.dot_dimension_numbers<[1], [1], [0], [0], [0, 0, 1, 0], [], []>, transpose_lhs_hint = false} : vector<1152x256xf32>, vector<512x256xf32>, vector<1152x512xf32> -> vector<1152x512xf32>
    %sub3A_167 = vector.broadcast %broadcast_in_dim3A : vector<1152x1xf32> to vector<1152x512xf32>
    %sub3A_168 = arith.subf %sub3A_167, %dot_general3A_166 : vector<1152x512xf32>
    %bitcast_convert_type3A_169 = tpu.bitcast %sub3A_168 : vector<1152x512xf32> -> vector<1152x512xi32>
    %shift_left3A_170 = arith.constant 13 : i32
    %shift_left3A_171 = vector.broadcast %shift_left3A_170 : i32 to vector<1152x512xi32>
    %shift_left3A_172 = arith.shli %bitcast_convert_type3A_169, %shift_left3A_171 : vector<1152x512xi32>
    %add3A_173 = arith.addi %shift_left3A_172, %add3A_7 : vector<1152x512xi32>
    %bitcast_convert_type3A_174 = tpu.bitcast %add3A_173 : vector<1152x512xi32> -> vector<1152x512xf32>
    %reduce_min3A_175 = arith.constant dense<0x7F800000> : vector<1152xf32>
    %reduce_min3A_176 = vector.multi_reduction <minimumf>, %bitcast_convert_type3A_174, %reduce_min3A_175 [1] : vector<1152x512xf32> to vector<1152xf32>
    %broadcast_in_dim3A_177 = vector.shape_cast %reduce_min3A_176 : vector<1152xf32> to vector<1152x1xf32>
    %bitcast_convert_type3A_178 = tpu.bitcast %broadcast_in_dim3A_177 : vector<1152x1xf32> -> vector<1152x1xi32>
    %add3A_179 = arith.constant 3584 : i32
    %add3A_180 = vector.broadcast %add3A_179 : i32 to vector<1152x1xi32>
    %add3A_181 = arith.addi %bitcast_convert_type3A_178, %add3A_180 : vector<1152x1xi32>
    %bitcast_convert_type3A_182 = tpu.bitcast %add3A_181 : vector<1152x1xi32> -> vector<1152x1xf32>
    %min3A_183 = arith.minimumf %min3A_161, %bitcast_convert_type3A_182 : vector<1152x1xf32>
    %get3A_184 = arith.constant 4096 : index
    %get3A_185 = arith.constant 0 : index
    %get3A_186 = vector.load %arg2[%get3A_184, %get3A_185] : memref<8192x256xf32, #tpu.memory_space<vmem>>, vector<512x256xf32>
    %dot_general3A_187 = arith.constant dense<0.000000e+00> : vector<1152x512xf32>
    %dot_general3A_188 = tpu.matmul %add3A_10, %get3A_186, %dot_general3A_187 {dimension_numbers = #tpu.dot_dimension_numbers<[1], [1], [0], [0], [0, 0, 1, 0], [], []>, transpose_lhs_hint = false} : vector<1152x256xf32>, vector<512x256xf32>, vector<1152x512xf32> -> vector<1152x512xf32>
    %sub3A_189 = vector.broadcast %broadcast_in_dim3A : vector<1152x1xf32> to vector<1152x512xf32>
    %sub3A_190 = arith.subf %sub3A_189, %dot_general3A_188 : vector<1152x512xf32>
    %bitcast_convert_type3A_191 = tpu.bitcast %sub3A_190 : vector<1152x512xf32> -> vector<1152x512xi32>
    %shift_left3A_192 = arith.constant 13 : i32
    %shift_left3A_193 = vector.broadcast %shift_left3A_192 : i32 to vector<1152x512xi32>
    %shift_left3A_194 = arith.shli %bitcast_convert_type3A_191, %shift_left3A_193 : vector<1152x512xi32>
    %add3A_195 = arith.addi %shift_left3A_194, %add3A_7 : vector<1152x512xi32>
    %bitcast_convert_type3A_196 = tpu.bitcast %add3A_195 : vector<1152x512xi32> -> vector<1152x512xf32>
    %reduce_min3A_197 = arith.constant dense<0x7F800000> : vector<1152xf32>
    %reduce_min3A_198 = vector.multi_reduction <minimumf>, %bitcast_convert_type3A_196, %reduce_min3A_197 [1] : vector<1152x512xf32> to vector<1152xf32>
    %broadcast_in_dim3A_199 = vector.shape_cast %reduce_min3A_198 : vector<1152xf32> to vector<1152x1xf32>
    %bitcast_convert_type3A_200 = tpu.bitcast %broadcast_in_dim3A_199 : vector<1152x1xf32> -> vector<1152x1xi32>
    %add3A_201 = arith.constant 4096 : i32
    %add3A_202 = vector.broadcast %add3A_201 : i32 to vector<1152x1xi32>
    %add3A_203 = arith.addi %bitcast_convert_type3A_200, %add3A_202 : vector<1152x1xi32>
    %bitcast_convert_type3A_204 = tpu.bitcast %add3A_203 : vector<1152x1xi32> -> vector<1152x1xf32>
    %min3A_205 = arith.minimumf %min3A_183, %bitcast_convert_type3A_204 : vector<1152x1xf32>
    %get3A_206 = arith.constant 4608 : index
    %get3A_207 = arith.constant 0 : index
    %get3A_208 = vector.load %arg2[%get3A_206, %get3A_207] : memref<8192x256xf32, #tpu.memory_space<vmem>>, vector<512x256xf32>
    %dot_general3A_209 = arith.constant dense<0.000000e+00> : vector<1152x512xf32>
    %dot_general3A_210 = tpu.matmul %add3A_10, %get3A_208, %dot_general3A_209 {dimension_numbers = #tpu.dot_dimension_numbers<[1], [1], [0], [0], [0, 0, 1, 0], [], []>, transpose_lhs_hint = false} : vector<1152x256xf32>, vector<512x256xf32>, vector<1152x512xf32> -> vector<1152x512xf32>
    %sub3A_211 = vector.broadcast %broadcast_in_dim3A : vector<1152x1xf32> to vector<1152x512xf32>
    %sub3A_212 = arith.subf %sub3A_211, %dot_general3A_210 : vector<1152x512xf32>
    %bitcast_convert_type3A_213 = tpu.bitcast %sub3A_212 : vector<1152x512xf32> -> vector<1152x512xi32>
    %shift_left3A_214 = arith.constant 13 : i32
    %shift_left3A_215 = vector.broadcast %shift_left3A_214 : i32 to vector<1152x512xi32>
    %shift_left3A_216 = arith.shli %bitcast_convert_type3A_213, %shift_left3A_215 : vector<1152x512xi32>
    %add3A_217 = arith.addi %shift_left3A_216, %add3A_7 : vector<1152x512xi32>
    %bitcast_convert_type3A_218 = tpu.bitcast %add3A_217 : vector<1152x512xi32> -> vector<1152x512xf32>
    %reduce_min3A_219 = arith.constant dense<0x7F800000> : vector<1152xf32>
    %reduce_min3A_220 = vector.multi_reduction <minimumf>, %bitcast_convert_type3A_218, %reduce_min3A_219 [1] : vector<1152x512xf32> to vector<1152xf32>
    %broadcast_in_dim3A_221 = vector.shape_cast %reduce_min3A_220 : vector<1152xf32> to vector<1152x1xf32>
    %bitcast_convert_type3A_222 = tpu.bitcast %broadcast_in_dim3A_221 : vector<1152x1xf32> -> vector<1152x1xi32>
    %add3A_223 = arith.constant 4608 : i32
    %add3A_224 = vector.broadcast %add3A_223 : i32 to vector<1152x1xi32>
    %add3A_225 = arith.addi %bitcast_convert_type3A_222, %add3A_224 : vector<1152x1xi32>
    %bitcast_convert_type3A_226 = tpu.bitcast %add3A_225 : vector<1152x1xi32> -> vector<1152x1xf32>
    %min3A_227 = arith.minimumf %min3A_205, %bitcast_convert_type3A_226 : vector<1152x1xf32>
    %get3A_228 = arith.constant 5120 : index
    %get3A_229 = arith.constant 0 : index
    %get3A_230 = vector.load %arg2[%get3A_228, %get3A_229] : memref<8192x256xf32, #tpu.memory_space<vmem>>, vector<512x256xf32>
    %dot_general3A_231 = arith.constant dense<0.000000e+00> : vector<1152x512xf32>
    %dot_general3A_232 = tpu.matmul %add3A_10, %get3A_230, %dot_general3A_231 {dimension_numbers = #tpu.dot_dimension_numbers<[1], [1], [0], [0], [0, 0, 1, 0], [], []>, transpose_lhs_hint = false} : vector<1152x256xf32>, vector<512x256xf32>, vector<1152x512xf32> -> vector<1152x512xf32>
    %sub3A_233 = vector.broadcast %broadcast_in_dim3A : vector<1152x1xf32> to vector<1152x512xf32>
    %sub3A_234 = arith.subf %sub3A_233, %dot_general3A_232 : vector<1152x512xf32>
    %bitcast_convert_type3A_235 = tpu.bitcast %sub3A_234 : vector<1152x512xf32> -> vector<1152x512xi32>
    %shift_left3A_236 = arith.constant 13 : i32
    %shift_left3A_237 = vector.broadcast %shift_left3A_236 : i32 to vector<1152x512xi32>
    %shift_left3A_238 = arith.shli %bitcast_convert_type3A_235, %shift_left3A_237 : vector<1152x512xi32>
    %add3A_239 = arith.addi %shift_left3A_238, %add3A_7 : vector<1152x512xi32>
    %bitcast_convert_type3A_240 = tpu.bitcast %add3A_239 : vector<1152x512xi32> -> vector<1152x512xf32>
    %reduce_min3A_241 = arith.constant dense<0x7F800000> : vector<1152xf32>
    %reduce_min3A_242 = vector.multi_reduction <minimumf>, %bitcast_convert_type3A_240, %reduce_min3A_241 [1] : vector<1152x512xf32> to vector<1152xf32>
    %broadcast_in_dim3A_243 = vector.shape_cast %reduce_min3A_242 : vector<1152xf32> to vector<1152x1xf32>
    %bitcast_convert_type3A_244 = tpu.bitcast %broadcast_in_dim3A_243 : vector<1152x1xf32> -> vector<1152x1xi32>
    %add3A_245 = arith.constant 5120 : i32
    %add3A_246 = vector.broadcast %add3A_245 : i32 to vector<1152x1xi32>
    %add3A_247 = arith.addi %bitcast_convert_type3A_244, %add3A_246 : vector<1152x1xi32>
    %bitcast_convert_type3A_248 = tpu.bitcast %add3A_247 : vector<1152x1xi32> -> vector<1152x1xf32>
    %min3A_249 = arith.minimumf %min3A_227, %bitcast_convert_type3A_248 : vector<1152x1xf32>
    %get3A_250 = arith.constant 5632 : index
    %get3A_251 = arith.constant 0 : index
    %get3A_252 = vector.load %arg2[%get3A_250, %get3A_251] : memref<8192x256xf32, #tpu.memory_space<vmem>>, vector<512x256xf32>
    %dot_general3A_253 = arith.constant dense<0.000000e+00> : vector<1152x512xf32>
    %dot_general3A_254 = tpu.matmul %add3A_10, %get3A_252, %dot_general3A_253 {dimension_numbers = #tpu.dot_dimension_numbers<[1], [1], [0], [0], [0, 0, 1, 0], [], []>, transpose_lhs_hint = false} : vector<1152x256xf32>, vector<512x256xf32>, vector<1152x512xf32> -> vector<1152x512xf32>
    %sub3A_255 = vector.broadcast %broadcast_in_dim3A : vector<1152x1xf32> to vector<1152x512xf32>
    %sub3A_256 = arith.subf %sub3A_255, %dot_general3A_254 : vector<1152x512xf32>
    %bitcast_convert_type3A_257 = tpu.bitcast %sub3A_256 : vector<1152x512xf32> -> vector<1152x512xi32>
    %shift_left3A_258 = arith.constant 13 : i32
    %shift_left3A_259 = vector.broadcast %shift_left3A_258 : i32 to vector<1152x512xi32>
    %shift_left3A_260 = arith.shli %bitcast_convert_type3A_257, %shift_left3A_259 : vector<1152x512xi32>
    %add3A_261 = arith.addi %shift_left3A_260, %add3A_7 : vector<1152x512xi32>
    %bitcast_convert_type3A_262 = tpu.bitcast %add3A_261 : vector<1152x512xi32> -> vector<1152x512xf32>
    %reduce_min3A_263 = arith.constant dense<0x7F800000> : vector<1152xf32>
    %reduce_min3A_264 = vector.multi_reduction <minimumf>, %bitcast_convert_type3A_262, %reduce_min3A_263 [1] : vector<1152x512xf32> to vector<1152xf32>
    %broadcast_in_dim3A_265 = vector.shape_cast %reduce_min3A_264 : vector<1152xf32> to vector<1152x1xf32>
    %bitcast_convert_type3A_266 = tpu.bitcast %broadcast_in_dim3A_265 : vector<1152x1xf32> -> vector<1152x1xi32>
    %add3A_267 = arith.constant 5632 : i32
    %add3A_268 = vector.broadcast %add3A_267 : i32 to vector<1152x1xi32>
    %add3A_269 = arith.addi %bitcast_convert_type3A_266, %add3A_268 : vector<1152x1xi32>
    %bitcast_convert_type3A_270 = tpu.bitcast %add3A_269 : vector<1152x1xi32> -> vector<1152x1xf32>
    %min3A_271 = arith.minimumf %min3A_249, %bitcast_convert_type3A_270 : vector<1152x1xf32>
    %get3A_272 = arith.constant 6144 : index
    %get3A_273 = arith.constant 0 : index
    %get3A_274 = vector.load %arg2[%get3A_272, %get3A_273] : memref<8192x256xf32, #tpu.memory_space<vmem>>, vector<512x256xf32>
    %dot_general3A_275 = arith.constant dense<0.000000e+00> : vector<1152x512xf32>
    %dot_general3A_276 = tpu.matmul %add3A_10, %get3A_274, %dot_general3A_275 {dimension_numbers = #tpu.dot_dimension_numbers<[1], [1], [0], [0], [0, 0, 1, 0], [], []>, transpose_lhs_hint = false} : vector<1152x256xf32>, vector<512x256xf32>, vector<1152x512xf32> -> vector<1152x512xf32>
    %sub3A_277 = vector.broadcast %broadcast_in_dim3A : vector<1152x1xf32> to vector<1152x512xf32>
    %sub3A_278 = arith.subf %sub3A_277, %dot_general3A_276 : vector<1152x512xf32>
    %bitcast_convert_type3A_279 = tpu.bitcast %sub3A_278 : vector<1152x512xf32> -> vector<1152x512xi32>
    %shift_left3A_280 = arith.constant 13 : i32
    %shift_left3A_281 = vector.broadcast %shift_left3A_280 : i32 to vector<1152x512xi32>
    %shift_left3A_282 = arith.shli %bitcast_convert_type3A_279, %shift_left3A_281 : vector<1152x512xi32>
    %add3A_283 = arith.addi %shift_left3A_282, %add3A_7 : vector<1152x512xi32>
    %bitcast_convert_type3A_284 = tpu.bitcast %add3A_283 : vector<1152x512xi32> -> vector<1152x512xf32>
    %reduce_min3A_285 = arith.constant dense<0x7F800000> : vector<1152xf32>
    %reduce_min3A_286 = vector.multi_reduction <minimumf>, %bitcast_convert_type3A_284, %reduce_min3A_285 [1] : vector<1152x512xf32> to vector<1152xf32>
    %broadcast_in_dim3A_287 = vector.shape_cast %reduce_min3A_286 : vector<1152xf32> to vector<1152x1xf32>
    %bitcast_convert_type3A_288 = tpu.bitcast %broadcast_in_dim3A_287 : vector<1152x1xf32> -> vector<1152x1xi32>
    %add3A_289 = arith.constant 6144 : i32
    %add3A_290 = vector.broadcast %add3A_289 : i32 to vector<1152x1xi32>
    %add3A_291 = arith.addi %bitcast_convert_type3A_288, %add3A_290 : vector<1152x1xi32>
    %bitcast_convert_type3A_292 = tpu.bitcast %add3A_291 : vector<1152x1xi32> -> vector<1152x1xf32>
    %min3A_293 = arith.minimumf %min3A_271, %bitcast_convert_type3A_292 : vector<1152x1xf32>
    %get3A_294 = arith.constant 6656 : index
    %get3A_295 = arith.constant 0 : index
    %get3A_296 = vector.load %arg2[%get3A_294, %get3A_295] : memref<8192x256xf32, #tpu.memory_space<vmem>>, vector<512x256xf32>
    %dot_general3A_297 = arith.constant dense<0.000000e+00> : vector<1152x512xf32>
    %dot_general3A_298 = tpu.matmul %add3A_10, %get3A_296, %dot_general3A_297 {dimension_numbers = #tpu.dot_dimension_numbers<[1], [1], [0], [0], [0, 0, 1, 0], [], []>, transpose_lhs_hint = false} : vector<1152x256xf32>, vector<512x256xf32>, vector<1152x512xf32> -> vector<1152x512xf32>
    %sub3A_299 = vector.broadcast %broadcast_in_dim3A : vector<1152x1xf32> to vector<1152x512xf32>
    %sub3A_300 = arith.subf %sub3A_299, %dot_general3A_298 : vector<1152x512xf32>
    %bitcast_convert_type3A_301 = tpu.bitcast %sub3A_300 : vector<1152x512xf32> -> vector<1152x512xi32>
    %shift_left3A_302 = arith.constant 13 : i32
    %shift_left3A_303 = vector.broadcast %shift_left3A_302 : i32 to vector<1152x512xi32>
    %shift_left3A_304 = arith.shli %bitcast_convert_type3A_301, %shift_left3A_303 : vector<1152x512xi32>
    %add3A_305 = arith.addi %shift_left3A_304, %add3A_7 : vector<1152x512xi32>
    %bitcast_convert_type3A_306 = tpu.bitcast %add3A_305 : vector<1152x512xi32> -> vector<1152x512xf32>
    %reduce_min3A_307 = arith.constant dense<0x7F800000> : vector<1152xf32>
    %reduce_min3A_308 = vector.multi_reduction <minimumf>, %bitcast_convert_type3A_306, %reduce_min3A_307 [1] : vector<1152x512xf32> to vector<1152xf32>
    %broadcast_in_dim3A_309 = vector.shape_cast %reduce_min3A_308 : vector<1152xf32> to vector<1152x1xf32>
    %bitcast_convert_type3A_310 = tpu.bitcast %broadcast_in_dim3A_309 : vector<1152x1xf32> -> vector<1152x1xi32>
    %add3A_311 = arith.constant 6656 : i32
    %add3A_312 = vector.broadcast %add3A_311 : i32 to vector<1152x1xi32>
    %add3A_313 = arith.addi %bitcast_convert_type3A_310, %add3A_312 : vector<1152x1xi32>
    %bitcast_convert_type3A_314 = tpu.bitcast %add3A_313 : vector<1152x1xi32> -> vector<1152x1xf32>
    %min3A_315 = arith.minimumf %min3A_293, %bitcast_convert_type3A_314 : vector<1152x1xf32>
    %get3A_316 = arith.constant 7168 : index
    %get3A_317 = arith.constant 0 : index
    %get3A_318 = vector.load %arg2[%get3A_316, %get3A_317] : memref<8192x256xf32, #tpu.memory_space<vmem>>, vector<512x256xf32>
    %dot_general3A_319 = arith.constant dense<0.000000e+00> : vector<1152x512xf32>
    %dot_general3A_320 = tpu.matmul %add3A_10, %get3A_318, %dot_general3A_319 {dimension_numbers = #tpu.dot_dimension_numbers<[1], [1], [0], [0], [0, 0, 1, 0], [], []>, transpose_lhs_hint = false} : vector<1152x256xf32>, vector<512x256xf32>, vector<1152x512xf32> -> vector<1152x512xf32>
    %sub3A_321 = vector.broadcast %broadcast_in_dim3A : vector<1152x1xf32> to vector<1152x512xf32>
    %sub3A_322 = arith.subf %sub3A_321, %dot_general3A_320 : vector<1152x512xf32>
    %bitcast_convert_type3A_323 = tpu.bitcast %sub3A_322 : vector<1152x512xf32> -> vector<1152x512xi32>
    %shift_left3A_324 = arith.constant 13 : i32
    %shift_left3A_325 = vector.broadcast %shift_left3A_324 : i32 to vector<1152x512xi32>
    %shift_left3A_326 = arith.shli %bitcast_convert_type3A_323, %shift_left3A_325 : vector<1152x512xi32>
    %add3A_327 = arith.addi %shift_left3A_326, %add3A_7 : vector<1152x512xi32>
    %bitcast_convert_type3A_328 = tpu.bitcast %add3A_327 : vector<1152x512xi32> -> vector<1152x512xf32>
    %reduce_min3A_329 = arith.constant dense<0x7F800000> : vector<1152xf32>
    %reduce_min3A_330 = vector.multi_reduction <minimumf>, %bitcast_convert_type3A_328, %reduce_min3A_329 [1] : vector<1152x512xf32> to vector<1152xf32>
    %broadcast_in_dim3A_331 = vector.shape_cast %reduce_min3A_330 : vector<1152xf32> to vector<1152x1xf32>
    %bitcast_convert_type3A_332 = tpu.bitcast %broadcast_in_dim3A_331 : vector<1152x1xf32> -> vector<1152x1xi32>
    %add3A_333 = arith.constant 7168 : i32
    %add3A_334 = vector.broadcast %add3A_333 : i32 to vector<1152x1xi32>
    %add3A_335 = arith.addi %bitcast_convert_type3A_332, %add3A_334 : vector<1152x1xi32>
    %bitcast_convert_type3A_336 = tpu.bitcast %add3A_335 : vector<1152x1xi32> -> vector<1152x1xf32>
    %min3A_337 = arith.minimumf %min3A_315, %bitcast_convert_type3A_336 : vector<1152x1xf32>
    %get3A_338 = arith.constant 7680 : index
    %get3A_339 = arith.constant 0 : index
    %get3A_340 = vector.load %arg2[%get3A_338, %get3A_339] : memref<8192x256xf32, #tpu.memory_space<vmem>>, vector<512x256xf32>
    %dot_general3A_341 = arith.constant dense<0.000000e+00> : vector<1152x512xf32>
    %dot_general3A_342 = tpu.matmul %add3A_10, %get3A_340, %dot_general3A_341 {dimension_numbers = #tpu.dot_dimension_numbers<[1], [1], [0], [0], [0, 0, 1, 0], [], []>, transpose_lhs_hint = false} : vector<1152x256xf32>, vector<512x256xf32>, vector<1152x512xf32> -> vector<1152x512xf32>
    %sub3A_343 = vector.broadcast %broadcast_in_dim3A : vector<1152x1xf32> to vector<1152x512xf32>
    %sub3A_344 = arith.subf %sub3A_343, %dot_general3A_342 : vector<1152x512xf32>
    %bitcast_convert_type3A_345 = tpu.bitcast %sub3A_344 : vector<1152x512xf32> -> vector<1152x512xi32>
    %shift_left3A_346 = arith.constant 13 : i32
    %shift_left3A_347 = vector.broadcast %shift_left3A_346 : i32 to vector<1152x512xi32>
    %shift_left3A_348 = arith.shli %bitcast_convert_type3A_345, %shift_left3A_347 : vector<1152x512xi32>
    %add3A_349 = arith.addi %shift_left3A_348, %add3A_7 : vector<1152x512xi32>
    %bitcast_convert_type3A_350 = tpu.bitcast %add3A_349 : vector<1152x512xi32> -> vector<1152x512xf32>
    %reduce_min3A_351 = arith.constant dense<0x7F800000> : vector<1152xf32>
    %reduce_min3A_352 = vector.multi_reduction <minimumf>, %bitcast_convert_type3A_350, %reduce_min3A_351 [1] : vector<1152x512xf32> to vector<1152xf32>
    %broadcast_in_dim3A_353 = vector.shape_cast %reduce_min3A_352 : vector<1152xf32> to vector<1152x1xf32>
    %bitcast_convert_type3A_354 = tpu.bitcast %broadcast_in_dim3A_353 : vector<1152x1xf32> -> vector<1152x1xi32>
    %add3A_355 = arith.constant 7680 : i32
    %add3A_356 = vector.broadcast %add3A_355 : i32 to vector<1152x1xi32>
    %add3A_357 = arith.addi %bitcast_convert_type3A_354, %add3A_356 : vector<1152x1xi32>
    %bitcast_convert_type3A_358 = tpu.bitcast %add3A_357 : vector<1152x1xi32> -> vector<1152x1xf32>
    %min3A_359 = arith.minimumf %min3A_337, %bitcast_convert_type3A_358 : vector<1152x1xf32>
    %bitcast_convert_type3A_360 = tpu.bitcast %min3A_359 : vector<1152x1xf32> -> vector<1152x1xi32>
    %sub3A_361 = arith.constant 1073741824 : i32
    %sub3A_362 = vector.broadcast %sub3A_361 : i32 to vector<1152x1xi32>
    %sub3A_363 = arith.subi %bitcast_convert_type3A_360, %sub3A_362 : vector<1152x1xi32>
    %and3A = arith.constant 8191 : i32
    %and3A_364 = vector.broadcast %and3A : i32 to vector<1152x1xi32>
    %and3A_365 = arith.andi %sub3A_363, %and3A_364 : vector<1152x1xi32>
    %shift_right_arithmetic3A = arith.constant 13 : i32
    %shift_right_arithmetic3A_366 = vector.broadcast %shift_right_arithmetic3A : i32 to vector<1152x1xi32>
    %shift_right_arithmetic3A_367 = arith.shrsi %sub3A_363, %shift_right_arithmetic3A_366 : vector<1152x1xi32>
    %add3A_368 = arith.addi %shift_right_arithmetic3A_367, %bitcast_convert_type3A : vector<1152x1xi32>
    %bitcast_convert_type3A_369 = tpu.bitcast %add3A_368 : vector<1152x1xi32> -> vector<1152x1xf32>
    %reshape3A = vector.shape_cast %and3A_365 : vector<1152x1xi32> to vector<1x9x128xi32>
    %swap3A = arith.constant 0 : index
    %swap3A_370 = arith.constant 0 : index
    %swap3A_371 = arith.constant 0 : index
    %swap3A_372 = vector.load %arg3[%swap3A, %swap3A_370, %swap3A_371] : memref<1x9x128xi32, #tpu.memory_space<vmem>>, vector<1x9x128xi32>
    tpu.vector_store %arg3[%swap3A, %swap3A_370, %swap3A_371], %reshape3A {strides = array<i32>} : memref<1x9x128xi32, #tpu.memory_space<vmem>>, vector<1x9x128xi32>,
    %reduce_sum3A_373 = vector.shape_cast %bitcast_convert_type3A_369 : vector<1152x1xf32> to vector<1x1152x1xf32>
    %reduce_sum3A_374 = arith.constant dense<0.000000e+00> : vector<1xf32>
    %reduce_sum3A_375 = vector.multi_reduction <add>, %reduce_sum3A_373, %reduce_sum3A_374 [1, 2] : vector<1x1152x1xf32> to vector<1xf32>
    %reduce_sum3A_376 = vector.shape_cast %reduce_sum3A_375 : vector<1xf32> to vector<1x1x1xf32>
    %reduce_sum3A_377 = vector.extract %reduce_sum3A_376[0, 0, 0] : f32 from vector<1x1x1xf32>
    %broadcast_in_dim3A_378 = vector.broadcast %reduce_sum3A_377 : f32 to vector<1x1x128xf32>
    %swap3A_379 = arith.constant 0 : index
    %swap3A_380 = arith.constant 0 : index
    %swap3A_381 = arith.constant 0 : index
    %swap3A_382 = vector.load %arg4[%swap3A_379, %swap3A_380, %swap3A_381] : memref<1x1x128xf32, #tpu.memory_space<vmem>>, vector<1x1x128xf32>
    tpu.vector_store %arg4[%swap3A_379, %swap3A_380, %swap3A_381], %broadcast_in_dim3A_378 {strides = array<i32>} : memref<1x1x128xf32, #tpu.memory_space<vmem>>, vector<1x1x128xf32>,
    return
  }
  func.func @transform_0(%arg0: i32) -> (i32, i32) {
    %c0_i32 = arith.constant 0 : i32
    %c0_i32_0 = arith.constant 0 : i32
    return %arg0, %c0_i32 : i32, i32
  }
  func.func @transform_1(%arg0: i32) -> (i32, i32) {
    %c0_i32 = arith.constant 0 : i32
    %c0_i32_0 = arith.constant 0 : i32
    %c0_i32_1 = arith.constant 0 : i32
    return %c0_i32, %c0_i32_0 : i32, i32
  }
  func.func @transform_2(%arg0: i32) -> (i32, i32, i32) {
    %c0_i32 = arith.constant 0 : i32
    %c0_i32_0 = arith.constant 0 : i32
    %c0_i32_1 = arith.constant 0 : i32
    return %arg0, %c0_i32, %c0_i32_0 : i32, i32, i32
  }
  func.func @transform_3(%arg0: i32) -> (i32, i32, i32) {
    %c0_i32 = arith.constant 0 : i32
    %c0_i32_0 = arith.constant 0 : i32
    %c0_i32_1 = arith.constant 0 : i32
    return %arg0, %c0_i32, %c0_i32_0 : i32, i32, i32
  }
}

</mosaic_0001>

<sc_bundles>
// kernel: kernel.4.cloned.1.call-start
scs
__scs_entry_jumppad:
0x0: {  	(pc) =	sbr.rel $0x88, $3  }
0x1: {  	(tag) =	ssettag $0x0;
	lr =	simm.s32 $0x1  }
0x2: {  	[smem:$0x3F9F] =	sst lr;
	_ =	strace $0xD0000000  }
0x3: {  	_ = 	snop  }
0x4: {  	_ = 	snop  }
0x5: {  	_ = 	snop  }
0x6: {  	_ = 	snop  }
0x7: {  	_ = 	snop  }
__scs_overlays_trampoline_lowered:
0x8: {  	[smem:$0x3FAE] =	sst s0  }
0x9: {  	[smem:$0x3FAF] =	sst s1  }
0xa: {  	[smem:$0x3FB0] =	sst s2  }
0xb: {  	[smem:$0x3FB1] =	sst s3  }
0xc: {  	[smem:$0x3FB2] =	sst s4  }
0xd: {  	[smem:$0x3FB3] =	sst s5  }
0xe: {  	[smem:$0x3FB4] =	sst s6  }
0xf: {  	[smem:$0x3FB5] =	sst s7  }
0x10: {  	[smem:$0x3FB6] =	sst s8  }
0x11: {  	[smem:$0x3FB7] =	sst s9;
	s0 =	simm.s32 @!p0 $0x0  }
0x12: {  	s1 =	sld [smem:$0x3F9D];
	s0 =	simm.s32 @p0 $0x1  }
0x13: {  	[smem:$0x3FB8] =	sst s0;
	s0 =	simm.s32 @!p1 $0x0  }
0x14: {  	s2 =	sld [smem:$0x3F9C];
	s0 =	simm.s32 @p1 $0x1  }
0x15: {  	[smem:$0x3FB9] =	sst s0;
	s0 =	simm.s32 @!p2 $0x0  }
0x16: {  	s3 =	sld [smem:$0x3FDB];
	s0 =	simm.s32 @p2 $0x1  }
0x17: {  	s4 =	simm.s32 $0x1BF5;
	[smem:$0x3FBB] =	sst s0  }
0x18: {  	s0 =	sld [smem:$0x3F9E];
	_ =	swait.ge [sflag:s4], $0x0  }
0x19: {  	s7 =	sld [smem:$0x3F9F]  }
0x1a: {  	s8 =	sadd.s32 $0xFFFFE003, lr  }
0x1b: {  	s9 =	sadd.s32 $0xFFFFFEF7, lr;
	s5 =	simm.s32 $0xFFFFFFFF;
	p2 =	slt.u32 s8, $0xFFFFF086  }
0x1c: {  	p1 =	slt.u32 s9, $0xF7A;
	s5 =	simm.s32 @!p2 $0x0  }
0x1d: {  	s5 =	simm.s32 @p1 $0x1;
	p0 =	seq.s32 s7, s2  }
0x1e: {  	s7 =	smul.u32 @!p0 $0xF7A, s2;
	p2 =	seq.s32 @!p0 s5, $0x0  }
0x1f: {  	s9 =	smul.u32 $0xF7A, s1;
	s8 =	simm.s32 @!p0 $0x1BF5;
	p2 =	por !p2, p0  }
0x20: {  	[sflag:s8] =	ssyncset.s32 @!p0 $0xFFFFF086;
	s6 =	sadd.s32 @!p0 s3, s7;
	s7 =	simm.s32 @!p0 $0x108  }
0x21: {  	s3 =	sadd.s32 s3, s9;
	s6 =	sadd.s32 @!p0 $0x88, s6;
	s7 =	simm.s32 @p2 $0x1082  }
0x22: {  	[simem:s7], [sflag:s8] =	dma.local @!p0 [hbm:s6], $0xF7A  }
0x23: {  	s9 =	sor.u32 $0xD0000000, s2;
	s6 =	simm.s32 $0x108;
	_ =	swait.ge @!p0 [sflag:s8], $0x0  }
0x24: {  	s3 =	sadd.s32 $0x88, s3;
	s6 =	simm.s32 @!p1 $0x1082;
	[sflag:s4] =	ssyncset.s32 $0xFFFFF086  }
0x25: {  	[simem:s6], [sflag:s4] =	dma.local [hbm:s3], $0xF7A  }
0x26: {  	[smem:$0x3F9F] =	sst s1;
	(tag) =	ssettag s2;
	_ =	strace s9  }
0x27: {  	s1 =	sld [smem:$0x3FAF]  }
0x28: {  	s2 =	sld [smem:$0x3FB0]  }
0x29: {  	s4 =	sld [smem:$0x3FB2]  }
0x2a: {  	p0 =	seq.s32 s5, $0x0;
	s5 =	sld [smem:$0x3FB3]  }
0x2b: {  	s6 =	sld [smem:$0x3FB4]  }
0x2c: {  	s7 =	sld [smem:$0x3FB5]  }
0x2d: {  	s3 =	simm.s32 $0x108;
	s8 =	sld [smem:$0x3FB6]  }
0x2e: {  	s3 =	simm.s32 @!p0 $0x1082;
	s9 =	sld [smem:$0x3FB7]  }
0x2f: {  	lr =	sadd.s32 s0, s3;
	s0 =	sld [smem:$0x3FAE]  }
0x30: {  	s3 =	sld [smem:$0x3FB1]  }
0x31: {  	[smem:$0x3FBA] =	sst s10  }
0x32: {  	s10 =	sld [smem:$0x3FB8];
	_ =	sdelay $0x3  }
0x33: {  	p0 =	seq.s32 s10, $0x1;
	s10 =	sld [smem:$0x3FBA];
	_ =	sdelay $0x3  }
0x34: {  	[smem:$0x3FBA] =	sst s10  }
0x35: {  	s10 =	sld [smem:$0x3FB9];
	_ =	sdelay $0x3  }
0x36: {  	p1 =	seq.s32 s10, $0x1;
	s10 =	sld [smem:$0x3FBA];
	_ =	sdelay $0x3  }
0x37: {  	[smem:$0x3FBA] =	sst s10  }
0x38: {  	s10 =	sld [smem:$0x3FBB]  }
0x39: {  	_ = 	snop;
	(pc) =	sbr.ind lr, $3  }
0x3a: {  	_ = 	snop  }
0x3b: {  	_ = 	snop  }
0x3c: {  	p2 =	seq.s32 s10, $0x1;
	s10 =	sld [smem:$0x3FBA]  }
0x3d: {  	_ =	shalt  }
0x3e: {  	_ =	shalt  }
0x3f: {  	_ =	shalt  }
0x40: {  	_ =	shalt  }
0x41: {  	_ =	shalt  }
0x42: {  	_ =	shalt  }
0x43: {  	_ =	shalt  }
0x44: {  	_ =	shalt  }
0x45: {  	_ =	shalt  }
0x46: {  	_ =	shalt  }
0x47: {  	_ =	shalt  }
0x48: {  	_ =	shalt  }
0x49: {  	_ =	shalt  }
0x4a: {  	_ =	shalt  }
0x4b: {  	_ =	shalt  }
0x4c: {  	_ =	shalt  }
0x4d: {  	_ =	shalt  }
0x4e: {  	_ =	shalt  }
0x4f: {  	_ =	shalt  }
0x50: {  	_ =	shalt  }
0x51: {  	_ =	shalt  }
0x52: {  	_ =	shalt  }
0x53: {  	_ =	shalt  }
0x54: {  	_ =	shalt  }
0x55: {  	_ =	shalt  }
0x56: {  	_ =	shalt  }
0x57: {  	_ =	shalt  }
0x58: {  	_ =	shalt  }
0x59: {  	_ =	shalt  }
0x5a: {  	_ =	shalt  }
0x5b: {  	_ =	shalt  }
0x5c: {  	_ =	shalt  }
0x5d: {  	_ =	shalt  }
0x5e: {  	_ =	shalt  }
0x5f: {  	_ =	shalt  }
0x60: {  	_ =	shalt  }
0x61: {  	_ =	shalt  }
0x62: {  	_ =	shalt  }
0x63: {  	_ =	shalt  }
0x64: {  	_ =	shalt  }
0x65: {  	_ =	shalt  }
0x66: {  	_ =	shalt  }
0x67: {  	_ =	shalt  }
0x68: {  	_ =	shalt  }
0x69: {  	_ =	shalt  }
0x6a: {  	_ =	shalt  }
0x6b: {  	_ =	shalt  }
0x6c: {  	_ =	shalt  }
0x6d: {  	_ =	shalt  }
0x6e: {  	_ =	shalt  }
0x6f: {  	_ =	shalt  }
0x70: {  	_ =	shalt  }
0x71: {  	_ =	shalt  }
0x72: {  	_ =	shalt  }
0x73: {  	_ =	shalt  }
0x74: {  	_ =	shalt  }
0x75: {  	_ =	shalt  }
0x76: {  	_ =	shalt  }
0x77: {  	_ =	shalt  }
0x78: {  	_ =	shalt  }
0x79: {  	_ =	shalt  }
0x7a: {  	_ =	shalt  }
0x7b: {  	_ =	shalt  }
0x7c: {  	_ =	shalt  }
0x7d: {  	_ =	shalt  }
0x7e: {  	_ =	shalt  }
0x7f: {  	_ =	shalt  }
0x80: {  	_ =	shalt  }
0x81: {  	_ =	shalt  }
0x82: {  	_ =	shalt  }
0x83: {  	_ =	shalt  }
0x84: {  	_ =	shalt  }
0x85: {  	_ =	shalt  }
0x86: {  	_ =	shalt  }
0x87: {  	_ =	shalt  }
.Lfunc_end0:
.L_simem_size_0:
called_computation_lowered:
.L_overlay_start_0:
0x88: {  	s2 =	sld [smem:$0x3FD9]  }
0x89: {  	s3 =	sld [smem:$0x3FFE];
	_ =	sdelay $0x1  }
0x8a: {  	s1 =	srdreg.scid  }
0x8b: {  	s0 =	sand.u32 $0x1, s1  }
0x8c: {  	s14 =	sshll.u32 s0, $0xA;
	s2 =	sadd.s32 s3, s2  }
0x8d: {  	s2 =	sadd.s32 s2, s14  }
0x8e: {  	[smem:$0x3FC6] =	sst s2  }
0x8f: {  	_ = 	snop  }
0x90: {  	s2 =	sld [smem:$0x3FD0];
	_ =	sdelay $0x2  }
0x91: {  	s4 =	simm.s32 $0xA;
	s5 =	simm.s32 $0x10;
	s15 =	sld [smem:$0x3FC8]  }
0x92: {  	[smem:s5], [sflag:s4] =	dma.local [hbm:s2], $0x1  }
0x93: {  	_ =	swait.eq [sflag:s4], $0x1  }
0x94: {  	[sflag:s4] =	ssyncset.done $0x0  }
0x95: {  	[sflag:s4] =	ssyncadd.s32 $0xFFFFFFFF  }
0x96: {  	s16 =	sld [smem:$0x10];
	(tm) =	ssettm $0x1  }
0x97: {  	s17 =	sld [smem:$0x3FFB];
	_ =	sdelay $0x3  }
0x98: {  	_ =	strace s17  }
0x99: {  	s4 =	sld [smem:$0x3FFC];
	_ =	sdelay $0x3  }
0x9a: {  	_ =	strace s4  }
0x9b: {  	s4 =	sld [smem:$0x3FFD];
	_ =	sdelay $0x3  }
0x9c: {  	_ =	strace s4  }
0x9d: {  	_ =	strace $0x8FFFFFFF  }
0x9e: {  	s18 =	sld [smem:$0x3FDB];
	_ =	sdelay $0x1  }
0x9f: {  	s19 =	simm.s32 $_scs_section_size  }
0xa0: {  	s6 =	simm.s32 $_size__tile_overlayer_lowered;
	s7 =	simm.s32 $_tile_overlayer_lowered  }
0xa1: {  	s22 =	simm.s32 $0x1BFF;
	s21 =	sshll.u32 s7, $0x1;
	s4 =	sadd.s32 s19, s18  }
0xa2: {  	s8 =	simm.s32 $0x0;
	s20 =	sshll.u32 s6, $0x1;
	s6 =	sadd.s32 s21, s4  }
0xa3: {  	[timem:s8], [sflag:s22] =	dma.local [hbm:s6], s20  }
0xa4: {  	_ =	swait.ge [sflag:s22], s20  }
0xa5: {  	s5 =	ssub.s32 $0x0, s20;
	[sflag:s22] =	ssyncset.done $0x0  }
0xa6: {  	[sflag:s22] =	ssyncadd.s32 s5;
	_ =	sdelay $0x1  }
0xa7: {  	s23 =	simm.s32 $0x1B8B  }
0xa8: {  	_ =	swait.ge [sflag:s23], $0x1  }
0xa9: {  	[sflag:s23] =	ssyncset.done $0x0  }
0xaa: {  	s25 =	simm.s32 $0x1B8E;
	s24 =	sld [smem:$0x3FFE];
	[sflag:s23] =	ssyncadd.s32 $0xFFFFFFFF  }
0xab: {  	s26 =	simm.s32 $execute0_lowered;
	[smem:$0x3FD2] =	sst s25  }
0xac: {  	s6 =	sshll.u32 s26, $0x1;
	_ =	strace $0x80000046;
	[dreg:$0x1] =	wrdreg $0xFFFFFFFF  }
0xad: {  	s28 =	simm.s32 $_size_execute0_lowered;
	s4 =	sadd.s32 s4, s6;
	[dreg:$0x0] =	wrdreg $0x0  }
0xae: {  	s6 =	sshll.u32 s28, $0x1;
	[dreg:$0x2] =	wrdreg s4  }
0xaf: {  	[dreg:$0x3] =	wrdreg s6  }
0xb0: {  	[dreg:$0x4] =	wrdreg $0xC0  }
0xb1: {  	_ =	task [dreg:s8], $0x5FFFF  }
0xb2: {  	[dreg:$0x1] =	wrdreg $0xFFFFFFFF  }
0xb3: {  	[dreg:$0x0] =	wrdreg $0x60  }
0xb4: {  	[dreg:$0x2] =	wrdreg s15  }
0xb5: {  	[dreg:$0x3] =	wrdreg s24  }
0xb6: {  	[dreg:$0x4] =	wrdreg s16  }
0xb7: {  	[dreg:$0x5] =	wrdreg $0x9  }
0xb8: {  	_ =	task.clear_ibuf [dreg:s8], $0x6FFFF;
	_ =	strace $0x90000046  }
0xb9: {  	s29 =	simm.s32 $0x9;
	_ =	strace $0x80000048  }
0xba: {  	_ =	swait.ge [sflag:s29], $0x1  }
0xbb: {  	[sflag:s29] =	ssyncadd.s32 $0xFFFFFFFF  }
0xbc: {  	_ =	strace $0x90000048  }
0xbd: {  	_ =	sfence  }
0xbe: {  	s30 =	sld [smem:$0x0];
	_ =	sdelay $0x2  }
0xbf: {  	s31 =	sshll.u32 s1, $0xD;
	s1 =	sshrl.u32 s1, $0x2  }
0xc0: {  	s3 =	sand.u32 $0x4000, s31;
	s1 =	sadd.s32 s1, s30  }
0xc1: {  	s0 =	sor.u32 s3, s0;
	s1 =	sshll.u32 s1, $0x11  }
0xc2: {  	s0 =	sor.u32 s1, s0  }
0xc3: {  	s0 =	sadd.s32 $0x8F2B, s0  }
0xc4: {  	[sflag:s0] =	ssyncadd.remote.s32 $0x1  }
0xc5: {  	_ =	sfence.sel $0xFFFF  }
0xc6: {  	[dreg:$0x0] =	wrdreg $0xFFFFFFFF;
	(pc) =	sbr.abs _section_cstart, $3  }
0xc7: {  	[dreg:$0x1] =	wrdreg $0xFFFFFFFF  }
0xc8: {  	_ =	task.clear_ibuf [dreg:s8], $0x2FFFF;
	_ =	strace $0x9FFFFFFF  }
0xc9: {  	(tm) =	ssettm $0x7FFFFFFF  }
tec
execute0_lowered:
.L_overlay_start_1:
0x0: {  	(tag) =	ssettag $0x1  }
0x1: {  	s1 =	rddreg [dreg:$0x0]  }
0x2: {  	s0 =	srdreg.scid;
	s4 =	rddreg [dreg:$0x1]  }
0x3: {  	s2 =	stileid.u32;
	s5 =	rddreg [dreg:$0x2]  }
0x4: {  	s3 =	simm.s32 $0x0;
	s28 =	simm.s32 $0x1;
	s29 =	simm.s32 $0x3  }
0x5: {  	s30 =	simm.s32 $0x2;
	s31 =	simm.s32 $0x480;
	s8 =	simm.s32 $0x1C80  }
0x6: {  	s9 =	simm.s32 $0x2480;
	s10 =	simm.s32 $0x2C80;
	s11 =	simm.s32 $0x3480  }
0x7: {  	s12 =	simm.s32 $0x3C80;
	s13 =	simm.s32 $0x4480;
	s14 =	simm.s32 $0x4C80  }
0x8: {  	s15 =	simm.s32 $0x5480;
	s0 =	sand.u32 $0x1, s0;
	s2 =	sshll.u32 s2, $0x1  }
0x9: {  	s16 =	simm.s32 $0x5C80;
	s17 =	simm.s32 $0x6480;
	s2 =	sor.u32 s0, s2  }
0xa: {  	s18 =	simm.s32 $0x6C80;
	s0 =	ssub.s32 $0x2, s0;
	s6 =	smul.u32 $0x90, s2  }
0xb: {  	[smem:$0x7FF] =	sst s3;
	s7 =	smul.u32 $0x48000, s2;
	s25 =	sshrl.u32 s0, $0x1  }
0xc: {  	_ =	strace $0x80000047;
	s2 =	smul.u32 $0x9000, s2;
	s0 =	ssub.s32 s0, s25  }
0xd: {  	s25 =	simm.s32 $0xA480;
	s4 =	sadd.s32 s6, s4;
	s19 =	sshrl.u32 s7, $0x3  }
0xe: {  	s2 =	sadd.s32 s5, s2;
	s7 =	simm.s32 $0x1480;
	s6 =	simm.s32 $0xB480  }
0xf: {  	s4 =	sadd.s32 $0x400, s4;
	s20 =	sadd.s32 s5, s19;
	[dreg:$0x5] =	wrdreg s2  }
0x10: {  	s2 =	simm.s32 $0x4;
	[dreg:$0x4] =	wrdreg s4;
	s21 =	sadd.s32 $0x1800, s20  }
0x11: {  	s19 =	simm.s32 $0x7480;
	s22 =	sadd.s32 $0x3000, s20;
	[dreg:$0x6] =	wrdreg s21  }
0x12: {  	s5 =	simm.s32 $0xC480;
	s23 =	sadd.s32 $0x4800, s20;
	[dreg:$0x7] =	wrdreg s22  }
0x13: {  	s24 =	sadd.s32 $0x6000, s20;
	s26 =	sadd.s32 $0x7800, s20;
	[dreg:$0x8] =	wrdreg s23  }
0x14: {  	v2 =	vlaneseq.u32;
	s4 =	smax.u32 s0, $0x1;
	s20 =	simm.s32 $0x7C80;
	[dreg:$0x9] =	wrdreg s24  }
0x15: {  	vm0 =	vmmov $0xffff;
	v1 =	vshrl.u32 v2, $0x3;
	[dreg:$0xa] =	wrdreg s26;
	s21 =	simm.s32 $0x8480;
	s22 =	simm.s32 $0x8C80  }
0x16: {  	v0 =	vand.u32 $0x7, v2;
	v2 =	vor.u32 $0x8, v2;
	v1 =	vmul.u32 $0x8, v1;
	s23 =	simm.s32 $0x9480;
	s24 =	simm.s32 $0x9C80;
	s26 =	simm.s32 $0xAC80  }
.LBB2_1:
0x17: {  	s0 =	rddreg [dreg:$0x4]  }
0x18: {  	[tilespmem:s3], [sflag:$0x5] =	stream.linear.gather [hbm4b:s0+s3], $0x480, $0x38;
	[tilespmem:$0x18480] =	vst v63  }
0x19: {  	s0 =	simm.s32 $0x5  }
0x1a: {  	_ =	swait.ge [sflag:s0], $0x480  }
0x1b: {  	[sflag:s0] =	ssyncset.done $0x0  }
0x1c: {  	[sflag:s0] =	ssyncadd.s32 $0xFFFFFB80  }
0x1d: {  	v3 =	vld [tilespmem:$0x0];
	_ =	sdelay $0x4  }
0x1e: {  	v4 =	vshll.u32 v3, $0x1  }
0x1f: {  	v3 =	vand.u32 $0x7, v3;
	v4 =	vand.u32 $0xFFFFFFF0, v4  }
0x20: {  	v3 =	vor.u32 v3, v4  }
0x21: {  	v4 =	vperm.xlane v3, v0;
	_ =	sdelay $0x1  }
0x22: {  	v3 =	vperm.xlane v3, v2;
	v4 =	vadd.s32 v1, v4;
	_ =	sdelay $0x1  }
0x23: {  	v3 =	vadd.s32 v1, v3;
	_ =	sdelay $0x2  }
0x24: {  	[tilespmem:s31], [sflag:$0x1] =	stream.indirect_vreg.gather [hbm4b:s1+s3], $0x80, v4, vm0, $0xb8;
	[tilespmem:$0x18480] =	vst v63  }
0x25: {  	s0 =	simm.s32 $0xC80  }
0x26: {  	[tilespmem:s0], [sflag:$0x1] =	stream.indirect_vreg.gather [hbm4b:s1+s3], $0x80, v3, vm0, $0xb8;
	[tilespmem:$0x18480] =	vst v63  }
0x27: {  	v3 =	vld [tilespmem:$0x10];
	_ =	sdelay $0x4  }
0x28: {  	v49 =	vshll.u32 v3, $0x1  }
0x29: {  	v3 =	vand.u32 $0x7, v3;
	v4 =	vand.u32 $0xFFFFFFF0, v49  }
0x2a: {  	v3 =	vor.u32 v3, v4  }
0x2b: {  	v4 =	vperm.xlane v3, v0;
	_ =	sdelay $0x1  }
0x2c: {  	v3 =	vperm.xlane v3, v2;
	v4 =	vadd.s32 v1, v4;
	_ =	sdelay $0x1  }
0x2d: {  	v3 =	vadd.s32 v1, v3;
	_ =	sdelay $0x2  }
0x2e: {  	[tilespmem:s7], [sflag:$0x1] =	stream.indirect_vreg.gather [hbm4b:s1+s3], $0x80, v4, vm0, $0xb8;
	[tilespmem:$0x18480] =	vst v63  }
0x2f: {  	_ = 	snop  }
0x30: {  	[tilespmem:s8], [sflag:$0x1] =	stream.indirect_vreg.gather [hbm4b:s1+s3], $0x80, v3, vm0, $0xb8;
	[tilespmem:$0x18480] =	vst v63  }
0x31: {  	v3 =	vld [tilespmem:$0x20];
	_ =	sdelay $0x4  }
0x32: {  	v50 =	vshll.u32 v3, $0x1  }
0x33: {  	v3 =	vand.u32 $0x7, v3;
	v4 =	vand.u32 $0xFFFFFFF0, v50  }
0x34: {  	v3 =	vor.u32 v3, v4  }
0x35: {  	v4 =	vperm.xlane v3, v0;
	_ =	sdelay $0x1  }
0x36: {  	v3 =	vperm.xlane v3, v2;
	v4 =	vadd.s32 v1, v4;
	_ =	sdelay $0x1  }
0x37: {  	v3 =	vadd.s32 v1, v3;
	_ =	sdelay $0x2  }
0x38: {  	[tilespmem:s9], [sflag:$0x1] =	stream.indirect_vreg.gather [hbm4b:s1+s3], $0x80, v4, vm0, $0xb8;
	[tilespmem:$0x18480] =	vst v63  }
0x39: {  	_ = 	snop  }
0x3a: {  	[tilespmem:s10], [sflag:$0x1] =	stream.indirect_vreg.gather [hbm4b:s1+s3], $0x80, v3, vm0, $0xb8;
	[tilespmem:$0x18480] =	vst v63  }
0x3b: {  	v3 =	vld [tilespmem:$0x30];
	_ =	sdelay $0x4  }
0x3c: {  	v51 =	vshll.u32 v3, $0x1  }
0x3d: {  	v3 =	vand.u32 $0x7, v3;
	v4 =	vand.u32 $0xFFFFFFF0, v51  }
0x3e: {  	v3 =	vor.u32 v3, v4  }
0x3f: {  	v4 =	vperm.xlane v3, v0;
	_ =	sdelay $0x1  }
0x40: {  	v3 =	vperm.xlane v3, v2;
	v4 =	vadd.s32 v1, v4;
	_ =	sdelay $0x1  }
0x41: {  	v3 =	vadd.s32 v1, v3;
	_ =	sdelay $0x2  }
0x42: {  	[tilespmem:s11], [sflag:$0x1] =	stream.indirect_vreg.gather [hbm4b:s1+s3], $0x80, v4, vm0, $0xb8;
	[tilespmem:$0x18480] =	vst v63  }
0x43: {  	_ = 	snop  }
0x44: {  	[tilespmem:s12], [sflag:$0x1] =	stream.indirect_vreg.gather [hbm4b:s1+s3], $0x80, v3, vm0, $0xb8;
	[tilespmem:$0x18480] =	vst v63  }
0x45: {  	v3 =	vld [tilespmem:$0x40];
	_ =	sdelay $0x4  }
0x46: {  	v52 =	vshll.u32 v3, $0x1  }
0x47: {  	v3 =	vand.u32 $0x7, v3;
	v4 =	vand.u32 $0xFFFFFFF0, v52  }
0x48: {  	v3 =	vor.u32 v3, v4  }
0x49: {  	v4 =	vperm.xlane v3, v0;
	_ =	sdelay $0x1  }
0x4a: {  	v3 =	vperm.xlane v3, v2;
	v4 =	vadd.s32 v1, v4;
	_ =	sdelay $0x1  }
0x4b: {  	v3 =	vadd.s32 v1, v3;
	_ =	sdelay $0x2  }
0x4c: {  	[tilespmem:s13], [sflag:$0x1] =	stream.indirect_vreg.gather [hbm4b:s1+s3], $0x80, v4, vm0, $0xb8;
	[tilespmem:$0x18480] =	vst v63  }
0x4d: {  	_ = 	snop  }
0x4e: {  	[tilespmem:s14], [sflag:$0x1] =	stream.indirect_vreg.gather [hbm4b:s1+s3], $0x80, v3, vm0, $0xb8;
	[tilespmem:$0x18480] =	vst v63  }
0x4f: {  	v3 =	vld [tilespmem:$0x50];
	_ =	sdelay $0x4  }
0x50: {  	v53 =	vshll.u32 v3, $0x1  }
0x51: {  	v3 =	vand.u32 $0x7, v3;
	v4 =	vand.u32 $0xFFFFFFF0, v53  }
0x52: {  	v3 =	vor.u32 v3, v4  }
0x53: {  	v4 =	vperm.xlane v3, v0;
	_ =	sdelay $0x1  }
0x54: {  	v3 =	vperm.xlane v3, v2;
	v4 =	vadd.s32 v1, v4;
	_ =	sdelay $0x1  }
0x55: {  	v3 =	vadd.s32 v1, v3;
	_ =	sdelay $0x2  }
0x56: {  	[tilespmem:s15], [sflag:$0x1] =	stream.indirect_vreg.gather [hbm4b:s1+s3], $0x80, v4, vm0, $0xb8;
	[tilespmem:$0x18480] =	vst v63  }
0x57: {  	_ = 	snop  }
0x58: {  	[tilespmem:s16], [sflag:$0x1] =	stream.indirect_vreg.gather [hbm4b:s1+s3], $0x80, v3, vm0, $0xb8;
	[tilespmem:$0x18480] =	vst v63  }
0x59: {  	v3 =	vld [tilespmem:$0x60];
	_ =	sdelay $0x4  }
0x5a: {  	v54 =	vshll.u32 v3, $0x1  }
0x5b: {  	v3 =	vand.u32 $0x7, v3;
	v4 =	vand.u32 $0xFFFFFFF0, v54  }
0x5c: {  	v3 =	vor.u32 v3, v4  }
0x5d: {  	v4 =	vperm.xlane v3, v0;
	_ =	sdelay $0x1  }
0x5e: {  	v3 =	vperm.xlane v3, v2;
	v4 =	vadd.s32 v1, v4;
	_ =	sdelay $0x1  }
0x5f: {  	v3 =	vadd.s32 v1, v3;
	_ =	sdelay $0x2  }
0x60: {  	[tilespmem:s17], [sflag:$0x1] =	stream.indirect_vreg.gather [hbm4b:s1+s3], $0x80, v4, vm0, $0xb8;
	[tilespmem:$0x18480] =	vst v63  }
0x61: {  	_ = 	snop  }
0x62: {  	[tilespmem:s18], [sflag:$0x1] =	stream.indirect_vreg.gather [hbm4b:s1+s3], $0x80, v3, vm0, $0xb8;
	[tilespmem:$0x18480] =	vst v63  }
0x63: {  	v3 =	vld [tilespmem:$0x70];
	_ =	sdelay $0x4  }
0x64: {  	v55 =	vshll.u32 v3, $0x1  }
0x65: {  	v3 =	vand.u32 $0x7, v3;
	v4 =	vand.u32 $0xFFFFFFF0, v55  }
0x66: {  	v3 =	vor.u32 v3, v4  }
0x67: {  	v4 =	vperm.xlane v3, v0;
	_ =	sdelay $0x1  }
0x68: {  	v3 =	vperm.xlane v3, v2;
	v4 =	vadd.s32 v1, v4;
	_ =	sdelay $0x1  }
0x69: {  	v3 =	vadd.s32 v1, v3;
	_ =	sdelay $0x2  }
0x6a: {  	[tilespmem:s19], [sflag:$0x1] =	stream.indirect_vreg.gather [hbm4b:s1+s3], $0x80, v4, vm0, $0xb8;
	[tilespmem:$0x18480] =	vst v63  }
0x6b: {  	_ = 	snop  }
0x6c: {  	[tilespmem:s20], [sflag:$0x1] =	stream.indirect_vreg.gather [hbm4b:s1+s3], $0x80, v3, vm0, $0xb8;
	[tilespmem:$0x18480] =	vst v63  }
0x6d: {  	v3 =	vld [tilespmem:$0x80];
	_ =	sdelay $0x4  }
0x6e: {  	v56 =	vshll.u32 v3, $0x1  }
0x6f: {  	v3 =	vand.u32 $0x7, v3;
	v4 =	vand.u32 $0xFFFFFFF0, v56  }
0x70: {  	v3 =	vor.u32 v3, v4  }
0x71: {  	v4 =	vperm.xlane v3, v0;
	_ =	sdelay $0x1  }
0x72: {  	v3 =	vperm.xlane v3, v2;
	v4 =	vadd.s32 v1, v4;
	_ =	sdelay $0x1  }
0x73: {  	v3 =	vadd.s32 v1, v3;
	_ =	sdelay $0x2  }
0x74: {  	[tilespmem:s21], [sflag:$0x1] =	stream.indirect_vreg.gather [hbm4b:s1+s3], $0x80, v4, vm0, $0xb8;
	[tilespmem:$0x18480] =	vst v63  }
0x75: {  	_ = 	snop  }
0x76: {  	[tilespmem:s22], [sflag:$0x1] =	stream.indirect_vreg.gather [hbm4b:s1+s3], $0x80, v3, vm0, $0xb8;
	[tilespmem:$0x18480] =	vst v63  }
0x77: {  	v3 =	vld [tilespmem:$0x90];
	_ =	sdelay $0x4  }
0x78: {  	v57 =	vshll.u32 v3, $0x1  }
0x79: {  	v3 =	vand.u32 $0x7, v3;
	v4 =	vand.u32 $0xFFFFFFF0, v57  }
0x7a: {  	v3 =	vor.u32 v3, v4  }
0x7b: {  	v4 =	vperm.xlane v3, v0;
	_ =	sdelay $0x1  }
0x7c: {  	v3 =	vperm.xlane v3, v2;
	v4 =	vadd.s32 v1, v4;
	_ =	sdelay $0x1  }
0x7d: {  	v3 =	vadd.s32 v1, v3;
	_ =	sdelay $0x2  }
0x7e: {  	[tilespmem:s23], [sflag:$0x1] =	stream.indirect_vreg.gather [hbm4b:s1+s3], $0x80, v4, vm0, $0xb8;
	[tilespmem:$0x18480] =	vst v63  }
0x7f: {  	_ = 	snop  }
0x80: {  	[tilespmem:s24], [sflag:$0x1] =	stream.indirect_vreg.gather [hbm4b:s1+s3], $0x80, v3, vm0, $0xb8;
	[tilespmem:$0x18480] =	vst v63  }
0x81: {  	v3 =	vld [tilespmem:$0xA0];
	_ =	sdelay $0x4  }
0x82: {  	v58 =	vshll.u32 v3, $0x1  }
0x83: {  	v3 =	vand.u32 $0x7, v3;
	v4 =	vand.u32 $0xFFFFFFF0, v58  }
0x84: {  	v3 =	vor.u32 v3, v4  }
0x85: {  	v4 =	vperm.xlane v3, v0;
	_ =	sdelay $0x1  }
0x86: {  	v3 =	vperm.xlane v3, v2;
	v4 =	vadd.s32 v1, v4;
	_ =	sdelay $0x1  }
0x87: {  	v3 =	vadd.s32 v1, v3;
	_ =	sdelay $0x2  }
0x88: {  	[tilespmem:s25], [sflag:$0x1] =	stream.indirect_vreg.gather [hbm4b:s1+s3], $0x80, v4, vm0, $0xb8;
	[tilespmem:$0x18480] =	vst v63  }
0x89: {  	_ = 	snop  }
0x8a: {  	[tilespmem:s26], [sflag:$0x1] =	stream.indirect_vreg.gather [hbm4b:s1+s3], $0x80, v3, vm0, $0xb8;
	[tilespmem:$0x18480] =	vst v63  }
0x8b: {  	v3 =	vld [tilespmem:$0xB0];
	_ =	sdelay $0x4  }
0x8c: {  	v59 =	vshll.u32 v3, $0x1  }
0x8d: {  	v3 =	vand.u32 $0x7, v3;
	v4 =	vand.u32 $0xFFFFFFF0, v59  }
0x8e: {  	v3 =	vor.u32 v3, v4  }
0x8f: {  	v4 =	vperm.xlane v3, v0;
	_ =	sdelay $0x1  }
0x90: {  	v3 =	vperm.xlane v3, v2;
	v4 =	vadd.s32 v1, v4;
	_ =	sdelay $0x1  }
0x91: {  	v3 =	vadd.s32 v1, v3;
	_ =	sdelay $0x2  }
0x92: {  	[tilespmem:s6], [sflag:$0x1] =	stream.indirect_vreg.gather [hbm4b:s1+s3], $0x80, v4, vm0, $0xb8;
	[tilespmem:$0x18480] =	vst v63  }
0x93: {  	s0 =	simm.s32 $0xBC80  }
0x94: {  	[tilespmem:s0], [sflag:$0x1] =	stream.indirect_vreg.gather [hbm4b:s1+s3], $0x80, v3, vm0, $0xb8;
	[tilespmem:$0x18480] =	vst v63  }
0x95: {  	v3 =	vld [tilespmem:$0xC0];
	_ =	sdelay $0x4  }
0x96: {  	v60 =	vshll.u32 v3, $0x1  }
0x97: {  	v3 =	vand.u32 $0x7, v3;
	v4 =	vand.u32 $0xFFFFFFF0, v60  }
0x98: {  	v3 =	vor.u32 v3, v4  }
0x99: {  	v4 =	vperm.xlane v3, v0;
	_ =	sdelay $0x1  }
0x9a: {  	v3 =	vperm.xlane v3, v2;
	v4 =	vadd.s32 v1, v4;
	_ =	sdelay $0x1  }
0x9b: {  	v3 =	vadd.s32 v1, v3;
	_ =	sdelay $0x2  }
0x9c: {  	[tilespmem:s5], [sflag:$0x2] =	stream.indirect_vreg.gather [hbm4b:s1+s3], $0x80, v4, vm0, $0xb8;
	[tilespmem:$0x18480] =	vst v63  }
0x9d: {  	s0 =	simm.s32 $0xCC80  }
0x9e: {  	[tilespmem:s0], [sflag:$0x2] =	stream.indirect_vreg.gather [hbm4b:s1+s3], $0x80, v3, vm0, $0xb8;
	[tilespmem:$0x18480] =	vst v63  }
0x9f: {  	v3 =	vld [tilespmem:$0xD0];
	_ =	sdelay $0x4  }
0xa0: {  	v61 =	vshll.u32 v3, $0x1  }
0xa1: {  	v3 =	vand.u32 $0x7, v3;
	v4 =	vand.u32 $0xFFFFFFF0, v61  }
0xa2: {  	v3 =	vor.u32 v3, v4  }
0xa3: {  	v4 =	vperm.xlane v3, v0;
	_ =	sdelay $0x1  }
0xa4: {  	v3 =	vperm.xlane v3, v2;
	v4 =	vadd.s32 v1, v4;
	_ =	sdelay $0x1  }
0xa5: {  	v3 =	vadd.s32 v1, v3;
	_ =	sdelay $0x1  }
0xa6: {  	s0 =	simm.s32 $0xD480  }
0xa7: {  	[tilespmem:s0], [sflag:$0x2] =	stream.indirect_vreg.gather [hbm4b:s1+s3], $0x80, v4, vm0, $0xb8;
	[tilespmem:$0x18480] =	vst v63  }
0xa8: {  	s0 =	simm.s32 $0xDC80  }
0xa9: {  	[tilespmem:s0], [sflag:$0x2] =	stream.indirect_vreg.gather [hbm4b:s1+s3], $0x80, v3, vm0, $0xb8;
	[tilespmem:$0x18480] =	vst v63  }
0xaa: {  	v3 =	vld [tilespmem:$0xE0];
	_ =	sdelay $0x4  }
0xab: {  	v62 =	vshll.u32 v3, $0x1  }
0xac: {  	v3 =	vand.u32 $0x7, v3;
	v4 =	vand.u32 $0xFFFFFFF0, v62  }
0xad: {  	v3 =	vor.u32 v3, v4  }
0xae: {  	v4 =	vperm.xlane v3, v0;
	_ =	sdelay $0x1  }
0xaf: {  	v3 =	vperm.xlane v3, v2;
	v4 =	vadd.s32 v1, v4;
	_ =	sdelay $0x1  }
0xb0: {  	v3 =	vadd.s32 v1, v3;
	_ =	sdelay $0x1  }
0xb1: {  	s0 =	simm.s32 $0xE480  }
0xb2: {  	[tilespmem:s0], [sflag:$0x2] =	stream.indirect_vreg.gather [hbm4b:s1+s3], $0x80, v4, vm0, $0xb8;
	[tilespmem:$0x18480] =	vst v63  }
0xb3: {  	s0 =	simm.s32 $0xEC80  }
0xb4: {  	[tilespmem:s0], [sflag:$0x2] =	stream.indirect_vreg.gather [hbm4b:s1+s3], $0x80, v3, vm0, $0xb8;
	[tilespmem:$0x18480] =	vst v63  }
0xb5: {  	v3 =	vld [tilespmem:$0xF0];
	_ =	sdelay $0x4  }
0xb6: {  	v63 =	vshll.u32 v3, $0x1  }
0xb7: {  	v3 =	vand.u32 $0x7, v3;
	v4 =	vand.u32 $0xFFFFFFF0, v63  }
0xb8: {  	v3 =	vor.u32 v3, v4  }
0xb9: {  	v4 =	vperm.xlane v3, v0;
	_ =	sdelay $0x1  }
0xba: {  	v3 =	vperm.xlane v3, v2;
	v4 =	vadd.s32 v1, v4;
	_ =	sdelay $0x1  }
0xbb: {  	v3 =	vadd.s32 v1, v3;
	_ =	sdelay $0x1  }
0xbc: {  	s0 =	simm.s32 $0xF480  }
0xbd: {  	[tilespmem:s0], [sflag:$0x2] =	stream.indirect_vreg.gather [hbm4b:s1+s3], $0x80, v4, vm0, $0xb8;
	[tilespmem:$0x18480] =	vst v63  }
0xbe: {  	s0 =	simm.s32 $0xFC80  }
0xbf: {  	[tilespmem:s0], [sflag:$0x2] =	stream.indirect_vreg.gather [hbm4b:s1+s3], $0x80, v3, vm0, $0xb8;
	[tilespmem:$0x18480] =	vst v63  }
0xc0: {  	v3 =	vld [tilespmem:$0x100];
	_ =	sdelay $0x4  }
0xc1: {  	v8 =	vshll.u32 v3, $0x1  }
0xc2: {  	v3 =	vand.u32 $0x7, v3;
	v4 =	vand.u32 $0xFFFFFFF0, v8  }
0xc3: {  	v3 =	vor.u32 v3, v4  }
0xc4: {  	v4 =	vperm.xlane v3, v0;
	_ =	sdelay $0x1  }
0xc5: {  	v3 =	vperm.xlane v3, v2;
	v4 =	vadd.s32 v1, v4;
	_ =	sdelay $0x1  }
0xc6: {  	v3 =	vadd.s32 v1, v3;
	_ =	sdelay $0x1  }
0xc7: {  	s0 =	simm.s32 $0x10480  }
0xc8: {  	[tilespmem:s0], [sflag:$0x2] =	stream.indirect_vreg.gather [hbm4b:s1+s3], $0x80, v4, vm0, $0xb8;
	[tilespmem:$0x18480] =	vst v63  }
0xc9: {  	s0 =	simm.s32 $0x10C80  }
0xca: {  	[tilespmem:s0], [sflag:$0x2] =	stream.indirect_vreg.gather [hbm4b:s1+s3], $0x80, v3, vm0, $0xb8;
	[tilespmem:$0x18480] =	vst v63  }
0xcb: {  	v3 =	vld [tilespmem:$0x110];
	_ =	sdelay $0x4  }
0xcc: {  	v9 =	vshll.u32 v3, $0x1  }
0xcd: {  	v3 =	vand.u32 $0x7, v3;
	v4 =	vand.u32 $0xFFFFFFF0, v9  }
0xce: {  	v3 =	vor.u32 v3, v4  }
0xcf: {  	v4 =	vperm.xlane v3, v0;
	_ =	sdelay $0x1  }
0xd0: {  	v3 =	vperm.xlane v3, v2;
	v4 =	vadd.s32 v1, v4;
	_ =	sdelay $0x1  }
0xd1: {  	v3 =	vadd.s32 v1, v3;
	_ =	sdelay $0x1  }
0xd2: {  	s0 =	simm.s32 $0x11480  }
0xd3: {  	[tilespmem:s0], [sflag:$0x2] =	stream.indirect_vreg.gather [hbm4b:s1+s3], $0x80, v4, vm0, $0xb8;
	[tilespmem:$0x18480] =	vst v63  }
0xd4: {  	s0 =	simm.s32 $0x11C80  }
0xd5: {  	[tilespmem:s0], [sflag:$0x2] =	stream.indirect_vreg.gather [hbm4b:s1+s3], $0x80, v3, vm0, $0xb8;
	[tilespmem:$0x18480] =	vst v63  }
0xd6: {  	v3 =	vld [tilespmem:$0x120];
	_ =	sdelay $0x4  }
0xd7: {  	v10 =	vshll.u32 v3, $0x1  }
0xd8: {  	v3 =	vand.u32 $0x7, v3;
	v4 =	vand.u32 $0xFFFFFFF0, v10  }
0xd9: {  	v3 =	vor.u32 v3, v4  }
0xda: {  	v4 =	vperm.xlane v3, v0;
	_ =	sdelay $0x1  }
0xdb: {  	v3 =	vperm.xlane v3, v2;
	v4 =	vadd.s32 v1, v4;
	_ =	sdelay $0x1  }
0xdc: {  	v3 =	vadd.s32 v1, v3;
	_ =	sdelay $0x1  }
0xdd: {  	s0 =	simm.s32 $0x12480  }
0xde: {  	[tilespmem:s0], [sflag:$0x2] =	stream.indirect_vreg.gather [hbm4b:s1+s3], $0x80, v4, vm0, $0xb8;
	[tilespmem:$0x18480] =	vst v63  }
0xdf: {  	s0 =	simm.s32 $0x12C80  }
0xe0: {  	[tilespmem:s0], [sflag:$0x2] =	stream.indirect_vreg.gather [hbm4b:s1+s3], $0x80, v3, vm0, $0xb8;
	[tilespmem:$0x18480] =	vst v63  }
0xe1: {  	v3 =	vld [tilespmem:$0x130];
	_ =	sdelay $0x4  }
0xe2: {  	v11 =	vshll.u32 v3, $0x1  }
0xe3: {  	v3 =	vand.u32 $0x7, v3;
	v4 =	vand.u32 $0xFFFFFFF0, v11  }
0xe4: {  	v3 =	vor.u32 v3, v4  }
0xe5: {  	v4 =	vperm.xlane v3, v0;
	_ =	sdelay $0x1  }
0xe6: {  	v3 =	vperm.xlane v3, v2;
	v4 =	vadd.s32 v1, v4;
	_ =	sdelay $0x1  }
0xe7: {  	v3 =	vadd.s32 v1, v3;
	_ =	sdelay $0x1  }
0xe8: {  	s0 =	simm.s32 $0x13480  }
0xe9: {  	[tilespmem:s0], [sflag:$0x2] =	stream.indirect_vreg.gather [hbm4b:s1+s3], $0x80, v4, vm0, $0xb8;
	[tilespmem:$0x18480] =	vst v63  }
0xea: {  	s0 =	simm.s32 $0x13C80  }
0xeb: {  	[tilespmem:s0], [sflag:$0x2] =	stream.indirect_vreg.gather [hbm4b:s1+s3], $0x80, v3, vm0, $0xb8;
	[tilespmem:$0x18480] =	vst v63  }
0xec: {  	v3 =	vld [tilespmem:$0x140];
	_ =	sdelay $0x4  }
0xed: {  	v12 =	vshll.u32 v3, $0x1  }
0xee: {  	v3 =	vand.u32 $0x7, v3;
	v4 =	vand.u32 $0xFFFFFFF0, v12  }
0xef: {  	v3 =	vor.u32 v3, v4  }
0xf0: {  	v4 =	vperm.xlane v3, v0;
	_ =	sdelay $0x1  }
0xf1: {  	v3 =	vperm.xlane v3, v2;
	v4 =	vadd.s32 v1, v4;
	_ =	sdelay $0x1  }
0xf2: {  	v3 =	vadd.s32 v1, v3;
	_ =	sdelay $0x1  }
0xf3: {  	s0 =	simm.s32 $0x14480  }
0xf4: {  	[tilespmem:s0], [sflag:$0x2] =	stream.indirect_vreg.gather [hbm4b:s1+s3], $0x80, v4, vm0, $0xb8;
	[tilespmem:$0x18480] =	vst v63  }
0xf5: {  	s0 =	simm.s32 $0x14C80  }
0xf6: {  	[tilespmem:s0], [sflag:$0x2] =	stream.indirect_vreg.gather [hbm4b:s1+s3], $0x80, v3, vm0, $0xb8;
	[tilespmem:$0x18480] =	vst v63  }
0xf7: {  	v3 =	vld [tilespmem:$0x150];
	_ =	sdelay $0x4  }
0xf8: {  	v13 =	vshll.u32 v3, $0x1  }
0xf9: {  	v3 =	vand.u32 $0x7, v3;
	v4 =	vand.u32 $0xFFFFFFF0, v13  }
0xfa: {  	v3 =	vor.u32 v3, v4  }
0xfb: {  	v4 =	vperm.xlane v3, v0;
	_ =	sdelay $0x1  }
0xfc: {  	v3 =	vperm.xlane v3, v2;
	v4 =	vadd.s32 v1, v4;
	_ =	sdelay $0x1  }
0xfd: {  	v3 =	vadd.s32 v1, v3;
	_ =	sdelay $0x1  }
0xfe: {  	s0 =	simm.s32 $0x15480  }
0xff: {  	[tilespmem:s0], [sflag:$0x2] =	stream.indirect_vreg.gather [hbm4b:s1+s3], $0x80, v4, vm0, $0xb8;
	[tilespmem:$0x18480] =	vst v63  }
0x100: {  	s0 =	simm.s32 $0x15C80  }
0x101: {  	[tilespmem:s0], [sflag:$0x2] =	stream.indirect_vreg.gather [hbm4b:s1+s3], $0x80, v3, vm0, $0xb8;
	[tilespmem:$0x18480] =	vst v63  }
0x102: {  	v3 =	vld [tilespmem:$0x160];
	_ =	sdelay $0x4  }
0x103: {  	v14 =	vshll.u32 v3, $0x1  }
0x104: {  	v3 =	vand.u32 $0x7, v3;
	v4 =	vand.u32 $0xFFFFFFF0, v14  }
0x105: {  	v3 =	vor.u32 v3, v4  }
0x106: {  	v4 =	vperm.xlane v3, v0;
	_ =	sdelay $0x1  }
0x107: {  	v3 =	vperm.xlane v3, v2;
	v4 =	vadd.s32 v1, v4;
	_ =	sdelay $0x1  }
0x108: {  	v3 =	vadd.s32 v1, v3;
	_ =	sdelay $0x1  }
0x109: {  	s0 =	simm.s32 $0x16480  }
0x10a: {  	[tilespmem:s0], [sflag:$0x2] =	stream.indirect_vreg.gather [hbm4b:s1+s3], $0x80, v4, vm0, $0xb8;
	[tilespmem:$0x18480] =	vst v63  }
0x10b: {  	s0 =	simm.s32 $0x16C80  }
0x10c: {  	[tilespmem:s0], [sflag:$0x2] =	stream.indirect_vreg.gather [hbm4b:s1+s3], $0x80, v3, vm0, $0xb8;
	[tilespmem:$0x18480] =	vst v63  }
0x10d: {  	v3 =	vld [tilespmem:$0x170];
	_ =	sdelay $0x4  }
0x10e: {  	v15 =	vshll.u32 v3, $0x1  }
0x10f: {  	v3 =	vand.u32 $0x7, v3;
	v4 =	vand.u32 $0xFFFFFFF0, v15  }
0x110: {  	v3 =	vor.u32 v3, v4  }
0x111: {  	v4 =	vperm.xlane v3, v0;
	_ =	sdelay $0x1  }
0x112: {  	v3 =	vperm.xlane v3, v2;
	v4 =	vadd.s32 v1, v4;
	_ =	sdelay $0x1  }
0x113: {  	v3 =	vadd.s32 v1, v3;
	_ =	sdelay $0x1  }
0x114: {  	s0 =	simm.s32 $0x17480  }
0x115: {  	[tilespmem:s0], [sflag:$0x2] =	stream.indirect_vreg.gather [hbm4b:s1+s3], $0x80, v4, vm0, $0xb8;
	[tilespmem:$0x18480] =	vst v63  }
0x116: {  	s0 =	simm.s32 $0x17C80  }
0x117: {  	[tilespmem:s0], [sflag:$0x2] =	stream.indirect_vreg.gather [hbm4b:s1+s3], $0x80, v3, vm0, $0xb8;
	[tilespmem:$0x18480] =	vst v63  }
0x118: {  	_ =	swait.ge [sflag:s28], $0xC000  }
0x119: {  	[sflag:s28] =	ssyncset.done $0x0  }
0x11a: {  	s0 =	rddreg [dreg:$0x5];
	[sflag:s28] =	ssyncadd.s32 $0xFFFF4000  }
0x11b: {  	[hbm4b:s0+s3] =	stream.linear.scatter [tilespmem:s31], [sflag:$0x3], $0xC000, $0x38;
	[tilespmem:$0x18480] =	vst v63  }
0x11c: {  	_ =	swait.ge [sflag:s29], $0xC000  }
0x11d: {  	[sflag:s29] =	ssyncset.done $0x0  }
0x11e: {  	[sflag:s29] =	ssyncadd.s32 $0xFFFF4000  }
0x11f: {  	v3 =	vld [tilespmem:$0x180];
	_ =	sdelay $0x4  }
0x120: {  	v16 =	vshll.u32 v3, $0x1  }
0x121: {  	v3 =	vand.u32 $0x7, v3;
	v4 =	vand.u32 $0xFFFFFFF0, v16  }
0x122: {  	v3 =	vor.u32 v3, v4  }
0x123: {  	v4 =	vperm.xlane v3, v0;
	_ =	sdelay $0x1  }
0x124: {  	v3 =	vperm.xlane v3, v2;
	v4 =	vadd.s32 v1, v4;
	_ =	sdelay $0x1  }
0x125: {  	v3 =	vadd.s32 v1, v3;
	_ =	sdelay $0x2  }
0x126: {  	[tilespmem:s31], [sflag:$0x1] =	stream.indirect_vreg.gather [hbm4b:s1+s3], $0x80, v4, vm0, $0xb8;
	[tilespmem:$0x18480] =	vst v63  }
0x127: {  	s0 =	simm.s32 $0xC80  }
0x128: {  	[tilespmem:s0], [sflag:$0x1] =	stream.indirect_vreg.gather [hbm4b:s1+s3], $0x80, v3, vm0, $0xb8;
	[tilespmem:$0x18480] =	vst v63  }
0x129: {  	v3 =	vld [tilespmem:$0x190];
	_ =	sdelay $0x4  }
0x12a: {  	v17 =	vshll.u32 v3, $0x1  }
0x12b: {  	v3 =	vand.u32 $0x7, v3;
	v4 =	vand.u32 $0xFFFFFFF0, v17  }
0x12c: {  	v3 =	vor.u32 v3, v4  }
0x12d: {  	v4 =	vperm.xlane v3, v0;
	_ =	sdelay $0x1  }
0x12e: {  	v3 =	vperm.xlane v3, v2;
	v4 =	vadd.s32 v1, v4;
	_ =	sdelay $0x1  }
0x12f: {  	v3 =	vadd.s32 v1, v3;
	_ =	sdelay $0x2  }
0x130: {  	[tilespmem:s7], [sflag:$0x1] =	stream.indirect_vreg.gather [hbm4b:s1+s3], $0x80, v4, vm0, $0xb8;
	[tilespmem:$0x18480] =	vst v63  }
0x131: {  	_ = 	snop  }
0x132: {  	[tilespmem:s8], [sflag:$0x1] =	stream.indirect_vreg.gather [hbm4b:s1+s3], $0x80, v3, vm0, $0xb8;
	[tilespmem:$0x18480] =	vst v63  }
0x133: {  	v3 =	vld [tilespmem:$0x1A0];
	_ =	sdelay $0x4  }
0x134: {  	v18 =	vshll.u32 v3, $0x1  }
0x135: {  	v3 =	vand.u32 $0x7, v3;
	v4 =	vand.u32 $0xFFFFFFF0, v18  }
0x136: {  	v3 =	vor.u32 v3, v4  }
0x137: {  	v4 =	vperm.xlane v3, v0;
	_ =	sdelay $0x1  }
0x138: {  	v3 =	vperm.xlane v3, v2;
	v4 =	vadd.s32 v1, v4;
	_ =	sdelay $0x1  }
0x139: {  	v3 =	vadd.s32 v1, v3;
	_ =	sdelay $0x2  }
0x13a: {  	[tilespmem:s9], [sflag:$0x1] =	stream.indirect_vreg.gather [hbm4b:s1+s3], $0x80, v4, vm0, $0xb8;
	[tilespmem:$0x18480] =	vst v63  }
0x13b: {  	_ = 	snop  }
0x13c: {  	[tilespmem:s10], [sflag:$0x1] =	stream.indirect_vreg.gather [hbm4b:s1+s3], $0x80, v3, vm0, $0xb8;
	[tilespmem:$0x18480] =	vst v63  }
0x13d: {  	v3 =	vld [tilespmem:$0x1B0];
	_ =	sdelay $0x4  }
0x13e: {  	v19 =	vshll.u32 v3, $0x1  }
0x13f: {  	v3 =	vand.u32 $0x7, v3;
	v4 =	vand.u32 $0xFFFFFFF0, v19  }
0x140: {  	v3 =	vor.u32 v3, v4  }
0x141: {  	v4 =	vperm.xlane v3, v0;
	_ =	sdelay $0x1  }
0x142: {  	v3 =	vperm.xlane v3, v2;
	v4 =	vadd.s32 v1, v4;
	_ =	sdelay $0x1  }
0x143: {  	v3 =	vadd.s32 v1, v3;
	_ =	sdelay $0x2  }
0x144: {  	[tilespmem:s11], [sflag:$0x1] =	stream.indirect_vreg.gather [hbm4b:s1+s3], $0x80, v4, vm0, $0xb8;
	[tilespmem:$0x18480] =	vst v63  }
0x145: {  	_ = 	snop  }
0x146: {  	[tilespmem:s12], [sflag:$0x1] =	stream.indirect_vreg.gather [hbm4b:s1+s3], $0x80, v3, vm0, $0xb8;
	[tilespmem:$0x18480] =	vst v63  }
0x147: {  	v3 =	vld [tilespmem:$0x1C0];
	_ =	sdelay $0x4  }
0x148: {  	v20 =	vshll.u32 v3, $0x1  }
0x149: {  	v3 =	vand.u32 $0x7, v3;
	v4 =	vand.u32 $0xFFFFFFF0, v20  }
0x14a: {  	v3 =	vor.u32 v3, v4  }
0x14b: {  	v4 =	vperm.xlane v3, v0;
	_ =	sdelay $0x1  }
0x14c: {  	v3 =	vperm.xlane v3, v2;
	v4 =	vadd.s32 v1, v4;
	_ =	sdelay $0x1  }
0x14d: {  	v3 =	vadd.s32 v1, v3;
	_ =	sdelay $0x2  }
0x14e: {  	[tilespmem:s13], [sflag:$0x1] =	stream.indirect_vreg.gather [hbm4b:s1+s3], $0x80, v4, vm0, $0xb8;
	[tilespmem:$0x18480] =	vst v63  }
0x14f: {  	_ = 	snop  }
0x150: {  	[tilespmem:s14], [sflag:$0x1] =	stream.indirect_vreg.gather [hbm4b:s1+s3], $0x80, v3, vm0, $0xb8;
	[tilespmem:$0x18480] =	vst v63  }
0x151: {  	v3 =	vld [tilespmem:$0x1D0];
	_ =	sdelay $0x4  }
0x152: {  	v21 =	vshll.u32 v3, $0x1  }
0x153: {  	v3 =	vand.u32 $0x7, v3;
	v4 =	vand.u32 $0xFFFFFFF0, v21  }
0x154: {  	v3 =	vor.u32 v3, v4  }
0x155: {  	v4 =	vperm.xlane v3, v0;
	_ =	sdelay $0x1  }
0x156: {  	v3 =	vperm.xlane v3, v2;
	v4 =	vadd.s32 v1, v4;
	_ =	sdelay $0x1  }
0x157: {  	v3 =	vadd.s32 v1, v3;
	_ =	sdelay $0x2  }
0x158: {  	[tilespmem:s15], [sflag:$0x1] =	stream.indirect_vreg.gather [hbm4b:s1+s3], $0x80, v4, vm0, $0xb8;
	[tilespmem:$0x18480] =	vst v63  }
0x159: {  	_ = 	snop  }
0x15a: {  	[tilespmem:s16], [sflag:$0x1] =	stream.indirect_vreg.gather [hbm4b:s1+s3], $0x80, v3, vm0, $0xb8;
	[tilespmem:$0x18480] =	vst v63  }
0x15b: {  	v3 =	vld [tilespmem:$0x1E0];
	_ =	sdelay $0x4  }
0x15c: {  	v22 =	vshll.u32 v3, $0x1  }
0x15d: {  	v3 =	vand.u32 $0x7, v3;
	v4 =	vand.u32 $0xFFFFFFF0, v22  }
0x15e: {  	v3 =	vor.u32 v3, v4  }
0x15f: {  	v4 =	vperm.xlane v3, v0;
	_ =	sdelay $0x1  }
0x160: {  	v3 =	vperm.xlane v3, v2;
	v4 =	vadd.s32 v1, v4;
	_ =	sdelay $0x1  }
0x161: {  	v3 =	vadd.s32 v1, v3;
	_ =	sdelay $0x2  }
0x162: {  	[tilespmem:s17], [sflag:$0x1] =	stream.indirect_vreg.gather [hbm4b:s1+s3], $0x80, v4, vm0, $0xb8;
	[tilespmem:$0x18480] =	vst v63  }
0x163: {  	_ = 	snop  }
0x164: {  	[tilespmem:s18], [sflag:$0x1] =	stream.indirect_vreg.gather [hbm4b:s1+s3], $0x80, v3, vm0, $0xb8;
	[tilespmem:$0x18480] =	vst v63  }
0x165: {  	v3 =	vld [tilespmem:$0x1F0];
	_ =	sdelay $0x4  }
0x166: {  	v23 =	vshll.u32 v3, $0x1  }
0x167: {  	v3 =	vand.u32 $0x7, v3;
	v4 =	vand.u32 $0xFFFFFFF0, v23  }
0x168: {  	v3 =	vor.u32 v3, v4  }
0x169: {  	v4 =	vperm.xlane v3, v0;
	_ =	sdelay $0x1  }
0x16a: {  	v3 =	vperm.xlane v3, v2;
	v4 =	vadd.s32 v1, v4;
	_ =	sdelay $0x1  }
0x16b: {  	v3 =	vadd.s32 v1, v3;
	_ =	sdelay $0x2  }
0x16c: {  	[tilespmem:s19], [sflag:$0x1] =	stream.indirect_vreg.gather [hbm4b:s1+s3], $0x80, v4, vm0, $0xb8;
	[tilespmem:$0x18480] =	vst v63  }
0x16d: {  	_ = 	snop  }
0x16e: {  	[tilespmem:s20], [sflag:$0x1] =	stream.indirect_vreg.gather [hbm4b:s1+s3], $0x80, v3, vm0, $0xb8;
	[tilespmem:$0x18480] =	vst v63  }
0x16f: {  	v3 =	vld [tilespmem:$0x200];
	_ =	sdelay $0x4  }
0x170: {  	v24 =	vshll.u32 v3, $0x1  }
0x171: {  	v3 =	vand.u32 $0x7, v3;
	v4 =	vand.u32 $0xFFFFFFF0, v24  }
0x172: {  	v3 =	vor.u32 v3, v4  }
0x173: {  	v4 =	vperm.xlane v3, v0;
	_ =	sdelay $0x1  }
0x174: {  	v3 =	vperm.xlane v3, v2;
	v4 =	vadd.s32 v1, v4;
	_ =	sdelay $0x1  }
0x175: {  	v3 =	vadd.s32 v1, v3;
	_ =	sdelay $0x2  }
0x176: {  	[tilespmem:s21], [sflag:$0x1] =	stream.indirect_vreg.gather [hbm4b:s1+s3], $0x80, v4, vm0, $0xb8;
	[tilespmem:$0x18480] =	vst v63  }
0x177: {  	_ = 	snop  }
0x178: {  	[tilespmem:s22], [sflag:$0x1] =	stream.indirect_vreg.gather [hbm4b:s1+s3], $0x80, v3, vm0, $0xb8;
	[tilespmem:$0x18480] =	vst v63  }
0x179: {  	v3 =	vld [tilespmem:$0x210];
	_ =	sdelay $0x4  }
0x17a: {  	v25 =	vshll.u32 v3, $0x1  }
0x17b: {  	v3 =	vand.u32 $0x7, v3;
	v4 =	vand.u32 $0xFFFFFFF0, v25  }
0x17c: {  	v3 =	vor.u32 v3, v4  }
0x17d: {  	v4 =	vperm.xlane v3, v0;
	_ =	sdelay $0x1  }
0x17e: {  	v3 =	vperm.xlane v3, v2;
	v4 =	vadd.s32 v1, v4;
	_ =	sdelay $0x1  }
0x17f: {  	v3 =	vadd.s32 v1, v3;
	_ =	sdelay $0x2  }
0x180: {  	[tilespmem:s23], [sflag:$0x1] =	stream.indirect_vreg.gather [hbm4b:s1+s3], $0x80, v4, vm0, $0xb8;
	[tilespmem:$0x18480] =	vst v63  }
0x181: {  	_ = 	snop  }
0x182: {  	[tilespmem:s24], [sflag:$0x1] =	stream.indirect_vreg.gather [hbm4b:s1+s3], $0x80, v3, vm0, $0xb8;
	[tilespmem:$0x18480] =	vst v63  }
0x183: {  	v3 =	vld [tilespmem:$0x220];
	_ =	sdelay $0x4  }
0x184: {  	v26 =	vshll.u32 v3, $0x1  }
0x185: {  	v3 =	vand.u32 $0x7, v3;
	v4 =	vand.u32 $0xFFFFFFF0, v26  }
0x186: {  	v3 =	vor.u32 v3, v4  }
0x187: {  	v4 =	vperm.xlane v3, v0;
	_ =	sdelay $0x1  }
0x188: {  	v3 =	vperm.xlane v3, v2;
	v4 =	vadd.s32 v1, v4;
	_ =	sdelay $0x1  }
0x189: {  	v3 =	vadd.s32 v1, v3;
	_ =	sdelay $0x2  }
0x18a: {  	[tilespmem:s25], [sflag:$0x1] =	stream.indirect_vreg.gather [hbm4b:s1+s3], $0x80, v4, vm0, $0xb8;
	[tilespmem:$0x18480] =	vst v63  }
0x18b: {  	_ = 	snop  }
0x18c: {  	[tilespmem:s26], [sflag:$0x1] =	stream.indirect_vreg.gather [hbm4b:s1+s3], $0x80, v3, vm0, $0xb8;
	[tilespmem:$0x18480] =	vst v63  }
0x18d: {  	v3 =	vld [tilespmem:$0x230];
	_ =	sdelay $0x4  }
0x18e: {  	v27 =	vshll.u32 v3, $0x1  }
0x18f: {  	v3 =	vand.u32 $0x7, v3;
	v4 =	vand.u32 $0xFFFFFFF0, v27  }
0x190: {  	v3 =	vor.u32 v3, v4  }
0x191: {  	v4 =	vperm.xlane v3, v0;
	_ =	sdelay $0x1  }
0x192: {  	v3 =	vperm.xlane v3, v2;
	v4 =	vadd.s32 v1, v4;
	_ =	sdelay $0x1  }
0x193: {  	v3 =	vadd.s32 v1, v3;
	_ =	sdelay $0x2  }
0x194: {  	[tilespmem:s6], [sflag:$0x1] =	stream.indirect_vreg.gather [hbm4b:s1+s3], $0x80, v4, vm0, $0xb8;
	[tilespmem:$0x18480] =	vst v63  }
0x195: {  	s0 =	simm.s32 $0xBC80  }
0x196: {  	[tilespmem:s0], [sflag:$0x1] =	stream.indirect_vreg.gather [hbm4b:s1+s3], $0x80, v3, vm0, $0xb8;
	[tilespmem:$0x18480] =	vst v63  }
0x197: {  	_ =	swait.ge [sflag:s30], $0xC000  }
0x198: {  	[sflag:s30] =	ssyncset.done $0x0  }
0x199: {  	s0 =	rddreg [dreg:$0x6];
	[sflag:s30] =	ssyncadd.s32 $0xFFFF4000  }
0x19a: {  	[hbm4b:s0+s3] =	stream.linear.scatter [tilespmem:s5], [sflag:$0x4], $0xC000, $0x38;
	[tilespmem:$0x18480] =	vst v63  }
0x19b: {  	_ =	swait.ge [sflag:s2], $0xC000  }
0x19c: {  	[sflag:s2] =	ssyncset.done $0x0  }
0x19d: {  	[sflag:s2] =	ssyncadd.s32 $0xFFFF4000  }
0x19e: {  	v3 =	vld [tilespmem:$0x240];
	_ =	sdelay $0x4  }
0x19f: {  	v28 =	vshll.u32 v3, $0x1  }
0x1a0: {  	v3 =	vand.u32 $0x7, v3;
	v4 =	vand.u32 $0xFFFFFFF0, v28  }
0x1a1: {  	v3 =	vor.u32 v3, v4  }
0x1a2: {  	v4 =	vperm.xlane v3, v0;
	_ =	sdelay $0x1  }
0x1a3: {  	v3 =	vperm.xlane v3, v2;
	v4 =	vadd.s32 v1, v4;
	_ =	sdelay $0x1  }
0x1a4: {  	v3 =	vadd.s32 v1, v3;
	_ =	sdelay $0x2  }
0x1a5: {  	[tilespmem:s5], [sflag:$0x2] =	stream.indirect_vreg.gather [hbm4b:s1+s3], $0x80, v4, vm0, $0xb8;
	[tilespmem:$0x18480] =	vst v63  }
0x1a6: {  	s0 =	simm.s32 $0xCC80  }
0x1a7: {  	[tilespmem:s0], [sflag:$0x2] =	stream.indirect_vreg.gather [hbm4b:s1+s3], $0x80, v3, vm0, $0xb8;
	[tilespmem:$0x18480] =	vst v63  }
0x1a8: {  	v3 =	vld [tilespmem:$0x250];
	_ =	sdelay $0x4  }
0x1a9: {  	v29 =	vshll.u32 v3, $0x1  }
0x1aa: {  	v3 =	vand.u32 $0x7, v3;
	v4 =	vand.u32 $0xFFFFFFF0, v29  }
0x1ab: {  	v3 =	vor.u32 v3, v4  }
0x1ac: {  	v4 =	vperm.xlane v3, v0;
	_ =	sdelay $0x1  }
0x1ad: {  	v3 =	vperm.xlane v3, v2;
	v4 =	vadd.s32 v1, v4;
	_ =	sdelay $0x1  }
0x1ae: {  	v3 =	vadd.s32 v1, v3;
	_ =	sdelay $0x1  }
0x1af: {  	s0 =	simm.s32 $0xD480  }
0x1b0: {  	[tilespmem:s0], [sflag:$0x2] =	stream.indirect_vreg.gather [hbm4b:s1+s3], $0x80, v4, vm0, $0xb8;
	[tilespmem:$0x18480] =	vst v63  }
0x1b1: {  	s0 =	simm.s32 $0xDC80  }
0x1b2: {  	[tilespmem:s0], [sflag:$0x2] =	stream.indirect_vreg.gather [hbm4b:s1+s3], $0x80, v3, vm0, $0xb8;
	[tilespmem:$0x18480] =	vst v63  }
0x1b3: {  	v3 =	vld [tilespmem:$0x260];
	_ =	sdelay $0x4  }
0x1b4: {  	v30 =	vshll.u32 v3, $0x1  }
0x1b5: {  	v3 =	vand.u32 $0x7, v3;
	v4 =	vand.u32 $0xFFFFFFF0, v30  }
0x1b6: {  	v3 =	vor.u32 v3, v4  }
0x1b7: {  	v4 =	vperm.xlane v3, v0;
	_ =	sdelay $0x1  }
0x1b8: {  	v3 =	vperm.xlane v3, v2;
	v4 =	vadd.s32 v1, v4;
	_ =	sdelay $0x1  }
0x1b9: {  	v3 =	vadd.s32 v1, v3;
	_ =	sdelay $0x1  }
0x1ba: {  	s0 =	simm.s32 $0xE480  }
0x1bb: {  	[tilespmem:s0], [sflag:$0x2] =	stream.indirect_vreg.gather [hbm4b:s1+s3], $0x80, v4, vm0, $0xb8;
	[tilespmem:$0x18480] =	vst v63  }
0x1bc: {  	s0 =	simm.s32 $0xEC80  }
0x1bd: {  	[tilespmem:s0], [sflag:$0x2] =	stream.indirect_vreg.gather [hbm4b:s1+s3], $0x80, v3, vm0, $0xb8;
	[tilespmem:$0x18480] =	vst v63  }
0x1be: {  	v3 =	vld [tilespmem:$0x270];
	_ =	sdelay $0x4  }
0x1bf: {  	v31 =	vshll.u32 v3, $0x1  }
0x1c0: {  	v3 =	vand.u32 $0x7, v3;
	v4 =	vand.u32 $0xFFFFFFF0, v31  }
0x1c1: {  	v3 =	vor.u32 v3, v4  }
0x1c2: {  	v4 =	vperm.xlane v3, v0;
	_ =	sdelay $0x1  }
0x1c3: {  	v3 =	vperm.xlane v3, v2;
	v4 =	vadd.s32 v1, v4;
	_ =	sdelay $0x1  }
0x1c4: {  	v3 =	vadd.s32 v1, v3;
	_ =	sdelay $0x1  }
0x1c5: {  	s0 =	simm.s32 $0xF480  }
0x1c6: {  	[tilespmem:s0], [sflag:$0x2] =	stream.indirect_vreg.gather [hbm4b:s1+s3], $0x80, v4, vm0, $0xb8;
	[tilespmem:$0x18480] =	vst v63  }
0x1c7: {  	s0 =	simm.s32 $0xFC80  }
0x1c8: {  	[tilespmem:s0], [sflag:$0x2] =	stream.indirect_vreg.gather [hbm4b:s1+s3], $0x80, v3, vm0, $0xb8;
	[tilespmem:$0x18480] =	vst v63  }
0x1c9: {  	v3 =	vld [tilespmem:$0x280];
	_ =	sdelay $0x4  }
0x1ca: {  	v32 =	vshll.u32 v3, $0x1  }
0x1cb: {  	v3 =	vand.u32 $0x7, v3;
	v4 =	vand.u32 $0xFFFFFFF0, v32  }
0x1cc: {  	v3 =	vor.u32 v3, v4  }
0x1cd: {  	v4 =	vperm.xlane v3, v0;
	_ =	sdelay $0x1  }
0x1ce: {  	v3 =	vperm.xlane v3, v2;
	v4 =	vadd.s32 v1, v4;
	_ =	sdelay $0x1  }
0x1cf: {  	v3 =	vadd.s32 v1, v3;
	_ =	sdelay $0x1  }
0x1d0: {  	s0 =	simm.s32 $0x10480  }
0x1d1: {  	[tilespmem:s0], [sflag:$0x2] =	stream.indirect_vreg.gather [hbm4b:s1+s3], $0x80, v4, vm0, $0xb8;
	[tilespmem:$0x18480] =	vst v63  }
0x1d2: {  	s0 =	simm.s32 $0x10C80  }
0x1d3: {  	[tilespmem:s0], [sflag:$0x2] =	stream.indirect_vreg.gather [hbm4b:s1+s3], $0x80, v3, vm0, $0xb8;
	[tilespmem:$0x18480] =	vst v63  }
0x1d4: {  	v3 =	vld [tilespmem:$0x290];
	_ =	sdelay $0x4  }
0x1d5: {  	v33 =	vshll.u32 v3, $0x1  }
0x1d6: {  	v3 =	vand.u32 $0x7, v3;
	v4 =	vand.u32 $0xFFFFFFF0, v33  }
0x1d7: {  	v3 =	vor.u32 v3, v4  }
0x1d8: {  	v4 =	vperm.xlane v3, v0;
	_ =	sdelay $0x1  }
0x1d9: {  	v3 =	vperm.xlane v3, v2;
	v4 =	vadd.s32 v1, v4;
	_ =	sdelay $0x1  }
0x1da: {  	v3 =	vadd.s32 v1, v3;
	_ =	sdelay $0x1  }
0x1db: {  	s0 =	simm.s32 $0x11480  }
0x1dc: {  	[tilespmem:s0], [sflag:$0x2] =	stream.indirect_vreg.gather [hbm4b:s1+s3], $0x80, v4, vm0, $0xb8;
	[tilespmem:$0x18480] =	vst v63  }
0x1dd: {  	s0 =	simm.s32 $0x11C80  }
0x1de: {  	[tilespmem:s0], [sflag:$0x2] =	stream.indirect_vreg.gather [hbm4b:s1+s3], $0x80, v3, vm0, $0xb8;
	[tilespmem:$0x18480] =	vst v63  }
0x1df: {  	v3 =	vld [tilespmem:$0x2A0];
	_ =	sdelay $0x4  }
0x1e0: {  	v34 =	vshll.u32 v3, $0x1  }
0x1e1: {  	v3 =	vand.u32 $0x7, v3;
	v4 =	vand.u32 $0xFFFFFFF0, v34  }
0x1e2: {  	v3 =	vor.u32 v3, v4  }
0x1e3: {  	v4 =	vperm.xlane v3, v0;
	_ =	sdelay $0x1  }
0x1e4: {  	v3 =	vperm.xlane v3, v2;
	v4 =	vadd.s32 v1, v4;
	_ =	sdelay $0x1  }
0x1e5: {  	v3 =	vadd.s32 v1, v3;
	_ =	sdelay $0x1  }
0x1e6: {  	s0 =	simm.s32 $0x12480  }
0x1e7: {  	[tilespmem:s0], [sflag:$0x2] =	stream.indirect_vreg.gather [hbm4b:s1+s3], $0x80, v4, vm0, $0xb8;
	[tilespmem:$0x18480] =	vst v63  }
0x1e8: {  	s0 =	simm.s32 $0x12C80  }
0x1e9: {  	[tilespmem:s0], [sflag:$0x2] =	stream.indirect_vreg.gather [hbm4b:s1+s3], $0x80, v3, vm0, $0xb8;
	[tilespmem:$0x18480] =	vst v63  }
0x1ea: {  	v3 =	vld [tilespmem:$0x2B0];
	_ =	sdelay $0x4  }
0x1eb: {  	v35 =	vshll.u32 v3, $0x1  }
0x1ec: {  	v3 =	vand.u32 $0x7, v3;
	v4 =	vand.u32 $0xFFFFFFF0, v35  }
0x1ed: {  	v3 =	vor.u32 v3, v4  }
0x1ee: {  	v4 =	vperm.xlane v3, v0;
	_ =	sdelay $0x1  }
0x1ef: {  	v3 =	vperm.xlane v3, v2;
	v4 =	vadd.s32 v1, v4;
	_ =	sdelay $0x1  }
0x1f0: {  	v3 =	vadd.s32 v1, v3;
	_ =	sdelay $0x1  }
0x1f1: {  	s0 =	simm.s32 $0x13480  }
0x1f2: {  	[tilespmem:s0], [sflag:$0x2] =	stream.indirect_vreg.gather [hbm4b:s1+s3], $0x80, v4, vm0, $0xb8;
	[tilespmem:$0x18480] =	vst v63  }
0x1f3: {  	s0 =	simm.s32 $0x13C80  }
0x1f4: {  	[tilespmem:s0], [sflag:$0x2] =	stream.indirect_vreg.gather [hbm4b:s1+s3], $0x80, v3, vm0, $0xb8;
	[tilespmem:$0x18480] =	vst v63  }
0x1f5: {  	v3 =	vld [tilespmem:$0x2C0];
	_ =	sdelay $0x4  }
0x1f6: {  	v36 =	vshll.u32 v3, $0x1  }
0x1f7: {  	v3 =	vand.u32 $0x7, v3;
	v4 =	vand.u32 $0xFFFFFFF0, v36  }
0x1f8: {  	v3 =	vor.u32 v3, v4  }
0x1f9: {  	v4 =	vperm.xlane v3, v0;
	_ =	sdelay $0x1  }
0x1fa: {  	v3 =	vperm.xlane v3, v2;
	v4 =	vadd.s32 v1, v4;
	_ =	sdelay $0x1  }
0x1fb: {  	v3 =	vadd.s32 v1, v3;
	_ =	sdelay $0x1  }
0x1fc: {  	s0 =	simm.s32 $0x14480  }
0x1fd: {  	[tilespmem:s0], [sflag:$0x2] =	stream.indirect_vreg.gather [hbm4b:s1+s3], $0x80, v4, vm0, $0xb8;
	[tilespmem:$0x18480] =	vst v63  }
0x1fe: {  	s0 =	simm.s32 $0x14C80  }
0x1ff: {  	[tilespmem:s0], [sflag:$0x2] =	stream.indirect_vreg.gather [hbm4b:s1+s3], $0x80, v3, vm0, $0xb8;
	[tilespmem:$0x18480] =	vst v63  }
0x200: {  	v3 =	vld [tilespmem:$0x2D0];
	_ =	sdelay $0x4  }
0x201: {  	v37 =	vshll.u32 v3, $0x1  }
0x202: {  	v3 =	vand.u32 $0x7, v3;
	v4 =	vand.u32 $0xFFFFFFF0, v37  }
0x203: {  	v3 =	vor.u32 v3, v4  }
0x204: {  	v4 =	vperm.xlane v3, v0;
	_ =	sdelay $0x1  }
0x205: {  	v3 =	vperm.xlane v3, v2;
	v4 =	vadd.s32 v1, v4;
	_ =	sdelay $0x1  }
0x206: {  	v3 =	vadd.s32 v1, v3;
	_ =	sdelay $0x1  }
0x207: {  	s0 =	simm.s32 $0x15480  }
0x208: {  	[tilespmem:s0], [sflag:$0x2] =	stream.indirect_vreg.gather [hbm4b:s1+s3], $0x80, v4, vm0, $0xb8;
	[tilespmem:$0x18480] =	vst v63  }
0x209: {  	s0 =	simm.s32 $0x15C80  }
0x20a: {  	[tilespmem:s0], [sflag:$0x2] =	stream.indirect_vreg.gather [hbm4b:s1+s3], $0x80, v3, vm0, $0xb8;
	[tilespmem:$0x18480] =	vst v63  }
0x20b: {  	v3 =	vld [tilespmem:$0x2E0];
	_ =	sdelay $0x4  }
0x20c: {  	v38 =	vshll.u32 v3, $0x1  }
0x20d: {  	v3 =	vand.u32 $0x7, v3;
	v4 =	vand.u32 $0xFFFFFFF0, v38  }
0x20e: {  	v3 =	vor.u32 v3, v4  }
0x20f: {  	v4 =	vperm.xlane v3, v0;
	_ =	sdelay $0x1  }
0x210: {  	v3 =	vperm.xlane v3, v2;
	v4 =	vadd.s32 v1, v4;
	_ =	sdelay $0x1  }
0x211: {  	v3 =	vadd.s32 v1, v3;
	_ =	sdelay $0x1  }
0x212: {  	s0 =	simm.s32 $0x16480  }
0x213: {  	[tilespmem:s0], [sflag:$0x2] =	stream.indirect_vreg.gather [hbm4b:s1+s3], $0x80, v4, vm0, $0xb8;
	[tilespmem:$0x18480] =	vst v63  }
0x214: {  	s0 =	simm.s32 $0x16C80  }
0x215: {  	[tilespmem:s0], [sflag:$0x2] =	stream.indirect_vreg.gather [hbm4b:s1+s3], $0x80, v3, vm0, $0xb8;
	[tilespmem:$0x18480] =	vst v63  }
0x216: {  	v3 =	vld [tilespmem:$0x2F0];
	_ =	sdelay $0x4  }
0x217: {  	v39 =	vshll.u32 v3, $0x1  }
0x218: {  	v3 =	vand.u32 $0x7, v3;
	v4 =	vand.u32 $0xFFFFFFF0, v39  }
0x219: {  	v3 =	vor.u32 v3, v4  }
0x21a: {  	v4 =	vperm.xlane v3, v0;
	_ =	sdelay $0x1  }
0x21b: {  	v3 =	vperm.xlane v3, v2;
	v4 =	vadd.s32 v1, v4;
	_ =	sdelay $0x1  }
0x21c: {  	v3 =	vadd.s32 v1, v3;
	_ =	sdelay $0x1  }
0x21d: {  	s0 =	simm.s32 $0x17480  }
0x21e: {  	[tilespmem:s0], [sflag:$0x2] =	stream.indirect_vreg.gather [hbm4b:s1+s3], $0x80, v4, vm0, $0xb8;
	[tilespmem:$0x18480] =	vst v63  }
0x21f: {  	s0 =	simm.s32 $0x17C80  }
0x220: {  	[tilespmem:s0], [sflag:$0x2] =	stream.indirect_vreg.gather [hbm4b:s1+s3], $0x80, v3, vm0, $0xb8;
	[tilespmem:$0x18480] =	vst v63  }
0x221: {  	_ =	swait.ge [sflag:s28], $0xC000  }
0x222: {  	[sflag:s28] =	ssyncset.done $0x0  }
0x223: {  	s0 =	rddreg [dreg:$0x7];
	[sflag:s28] =	ssyncadd.s32 $0xFFFF4000  }
0x224: {  	[hbm4b:s0+s3] =	stream.linear.scatter [tilespmem:s31], [sflag:$0x3], $0xC000, $0x38;
	[tilespmem:$0x18480] =	vst v63  }
0x225: {  	_ =	swait.ge [sflag:s29], $0xC000  }
0x226: {  	[sflag:s29] =	ssyncset.done $0x0  }
0x227: {  	[sflag:s29] =	ssyncadd.s32 $0xFFFF4000  }
0x228: {  	v3 =	vld [tilespmem:$0x300];
	_ =	sdelay $0x4  }
0x229: {  	v40 =	vshll.u32 v3, $0x1  }
0x22a: {  	v3 =	vand.u32 $0x7, v3;
	v4 =	vand.u32 $0xFFFFFFF0, v40  }
0x22b: {  	v3 =	vor.u32 v3, v4  }
0x22c: {  	v4 =	vperm.xlane v3, v0;
	_ =	sdelay $0x1  }
0x22d: {  	v3 =	vperm.xlane v3, v2;
	v4 =	vadd.s32 v1, v4;
	_ =	sdelay $0x1  }
0x22e: {  	v3 =	vadd.s32 v1, v3;
	_ =	sdelay $0x2  }
0x22f: {  	[tilespmem:s31], [sflag:$0x1] =	stream.indirect_vreg.gather [hbm4b:s1+s3], $0x80, v4, vm0, $0xb8;
	[tilespmem:$0x18480] =	vst v63  }
0x230: {  	s0 =	simm.s32 $0xC80  }
0x231: {  	[tilespmem:s0], [sflag:$0x1] =	stream.indirect_vreg.gather [hbm4b:s1+s3], $0x80, v3, vm0, $0xb8;
	[tilespmem:$0x18480] =	vst v63  }
0x232: {  	v3 =	vld [tilespmem:$0x310];
	_ =	sdelay $0x4  }
0x233: {  	v41 =	vshll.u32 v3, $0x1  }
0x234: {  	v3 =	vand.u32 $0x7, v3;
	v4 =	vand.u32 $0xFFFFFFF0, v41  }
0x235: {  	v3 =	vor.u32 v3, v4  }
0x236: {  	v4 =	vperm.xlane v3, v0;
	_ =	sdelay $0x1  }
0x237: {  	v3 =	vperm.xlane v3, v2;
	v4 =	vadd.s32 v1, v4;
	_ =	sdelay $0x1  }
0x238: {  	v3 =	vadd.s32 v1, v3;
	_ =	sdelay $0x2  }
0x239: {  	[tilespmem:s7], [sflag:$0x1] =	stream.indirect_vreg.gather [hbm4b:s1+s3], $0x80, v4, vm0, $0xb8;
	[tilespmem:$0x18480] =	vst v63  }
0x23a: {  	_ = 	snop  }
0x23b: {  	[tilespmem:s8], [sflag:$0x1] =	stream.indirect_vreg.gather [hbm4b:s1+s3], $0x80, v3, vm0, $0xb8;
	[tilespmem:$0x18480] =	vst v63  }
0x23c: {  	v3 =	vld [tilespmem:$0x320];
	_ =	sdelay $0x4  }
0x23d: {  	v42 =	vshll.u32 v3, $0x1  }
0x23e: {  	v3 =	vand.u32 $0x7, v3;
	v4 =	vand.u32 $0xFFFFFFF0, v42  }
0x23f: {  	v3 =	vor.u32 v3, v4  }
0x240: {  	v4 =	vperm.xlane v3, v0;
	_ =	sdelay $0x1  }
0x241: {  	v3 =	vperm.xlane v3, v2;
	v4 =	vadd.s32 v1, v4;
	_ =	sdelay $0x1  }
0x242: {  	v3 =	vadd.s32 v1, v3;
	_ =	sdelay $0x2  }
0x243: {  	[tilespmem:s9], [sflag:$0x1] =	stream.indirect_vreg.gather [hbm4b:s1+s3], $0x80, v4, vm0, $0xb8;
	[tilespmem:$0x18480] =	vst v63  }
0x244: {  	_ = 	snop  }
0x245: {  	[tilespmem:s10], [sflag:$0x1] =	stream.indirect_vreg.gather [hbm4b:s1+s3], $0x80, v3, vm0, $0xb8;
	[tilespmem:$0x18480] =	vst v63  }
0x246: {  	v3 =	vld [tilespmem:$0x330];
	_ =	sdelay $0x4  }
0x247: {  	v43 =	vshll.u32 v3, $0x1  }
0x248: {  	v3 =	vand.u32 $0x7, v3;
	v4 =	vand.u32 $0xFFFFFFF0, v43  }
0x249: {  	v3 =	vor.u32 v3, v4  }
0x24a: {  	v4 =	vperm.xlane v3, v0;
	_ =	sdelay $0x1  }
0x24b: {  	v3 =	vperm.xlane v3, v2;
	v4 =	vadd.s32 v1, v4;
	_ =	sdelay $0x1  }
0x24c: {  	v3 =	vadd.s32 v1, v3;
	_ =	sdelay $0x2  }
0x24d: {  	[tilespmem:s11], [sflag:$0x1] =	stream.indirect_vreg.gather [hbm4b:s1+s3], $0x80, v4, vm0, $0xb8;
	[tilespmem:$0x18480] =	vst v63  }
0x24e: {  	_ = 	snop  }
0x24f: {  	[tilespmem:s12], [sflag:$0x1] =	stream.indirect_vreg.gather [hbm4b:s1+s3], $0x80, v3, vm0, $0xb8;
	[tilespmem:$0x18480] =	vst v63  }
0x250: {  	v3 =	vld [tilespmem:$0x340];
	_ =	sdelay $0x4  }
0x251: {  	v44 =	vshll.u32 v3, $0x1  }
0x252: {  	v3 =	vand.u32 $0x7, v3;
	v4 =	vand.u32 $0xFFFFFFF0, v44  }
0x253: {  	v3 =	vor.u32 v3, v4  }
0x254: {  	v4 =	vperm.xlane v3, v0;
	_ =	sdelay $0x1  }
0x255: {  	v3 =	vperm.xlane v3, v2;
	v4 =	vadd.s32 v1, v4;
	_ =	sdelay $0x1  }
0x256: {  	v3 =	vadd.s32 v1, v3;
	_ =	sdelay $0x2  }
0x257: {  	[tilespmem:s13], [sflag:$0x1] =	stream.indirect_vreg.gather [hbm4b:s1+s3], $0x80, v4, vm0, $0xb8;
	[tilespmem:$0x18480] =	vst v63  }
0x258: {  	_ = 	snop  }
0x259: {  	[tilespmem:s14], [sflag:$0x1] =	stream.indirect_vreg.gather [hbm4b:s1+s3], $0x80, v3, vm0, $0xb8;
	[tilespmem:$0x18480] =	vst v63  }
0x25a: {  	v3 =	vld [tilespmem:$0x350];
	_ =	sdelay $0x4  }
0x25b: {  	v45 =	vshll.u32 v3, $0x1  }
0x25c: {  	v3 =	vand.u32 $0x7, v3;
	v4 =	vand.u32 $0xFFFFFFF0, v45  }
0x25d: {  	v3 =	vor.u32 v3, v4  }
0x25e: {  	v4 =	vperm.xlane v3, v0;
	_ =	sdelay $0x1  }
0x25f: {  	v3 =	vperm.xlane v3, v2;
	v4 =	vadd.s32 v1, v4;
	_ =	sdelay $0x1  }
0x260: {  	v3 =	vadd.s32 v1, v3;
	_ =	sdelay $0x2  }
0x261: {  	[tilespmem:s15], [sflag:$0x1] =	stream.indirect_vreg.gather [hbm4b:s1+s3], $0x80, v4, vm0, $0xb8;
	[tilespmem:$0x18480] =	vst v63  }
0x262: {  	_ = 	snop  }
0x263: {  	[tilespmem:s16], [sflag:$0x1] =	stream.indirect_vreg.gather [hbm4b:s1+s3], $0x80, v3, vm0, $0xb8;
	[tilespmem:$0x18480] =	vst v63  }
0x264: {  	v3 =	vld [tilespmem:$0x360];
	_ =	sdelay $0x4  }
0x265: {  	v46 =	vshll.u32 v3, $0x1  }
0x266: {  	v3 =	vand.u32 $0x7, v3;
	v4 =	vand.u32 $0xFFFFFFF0, v46  }
0x267: {  	v3 =	vor.u32 v3, v4  }
0x268: {  	v4 =	vperm.xlane v3, v0;
	_ =	sdelay $0x1  }
0x269: {  	v3 =	vperm.xlane v3, v2;
	v4 =	vadd.s32 v1, v4;
	_ =	sdelay $0x1  }
0x26a: {  	v3 =	vadd.s32 v1, v3;
	_ =	sdelay $0x2  }
0x26b: {  	[tilespmem:s17], [sflag:$0x1] =	stream.indirect_vreg.gather [hbm4b:s1+s3], $0x80, v4, vm0, $0xb8;
	[tilespmem:$0x18480] =	vst v63  }
0x26c: {  	_ = 	snop  }
0x26d: {  	[tilespmem:s18], [sflag:$0x1] =	stream.indirect_vreg.gather [hbm4b:s1+s3], $0x80, v3, vm0, $0xb8;
	[tilespmem:$0x18480] =	vst v63  }
0x26e: {  	v3 =	vld [tilespmem:$0x370];
	_ =	sdelay $0x4  }
0x26f: {  	v47 =	vshll.u32 v3, $0x1  }
0x270: {  	v3 =	vand.u32 $0x7, v3;
	v4 =	vand.u32 $0xFFFFFFF0, v47  }
0x271: {  	v3 =	vor.u32 v3, v4  }
0x272: {  	v4 =	vperm.xlane v3, v0;
	_ =	sdelay $0x1  }
0x273: {  	v3 =	vperm.xlane v3, v2;
	v4 =	vadd.s32 v1, v4;
	_ =	sdelay $0x1  }
0x274: {  	v3 =	vadd.s32 v1, v3;
	_ =	sdelay $0x2  }
0x275: {  	[tilespmem:s19], [sflag:$0x1] =	stream.indirect_vreg.gather [hbm4b:s1+s3], $0x80, v4, vm0, $0xb8;
	[tilespmem:$0x18480] =	vst v63  }
0x276: {  	_ = 	snop  }
0x277: {  	[tilespmem:s20], [sflag:$0x1] =	stream.indirect_vreg.gather [hbm4b:s1+s3], $0x80, v3, vm0, $0xb8;
	[tilespmem:$0x18480] =	vst v63  }
0x278: {  	v3 =	vld [tilespmem:$0x380];
	_ =	sdelay $0x4  }
0x279: {  	v48 =	vshll.u32 v3, $0x1  }
0x27a: {  	v3 =	vand.u32 $0x7, v3;
	v4 =	vand.u32 $0xFFFFFFF0, v48  }
0x27b: {  	v3 =	vor.u32 v3, v4  }
0x27c: {  	v4 =	vperm.xlane v3, v0;
	_ =	sdelay $0x1  }
0x27d: {  	v3 =	vperm.xlane v3, v2;
	v4 =	vadd.s32 v1, v4;
	_ =	sdelay $0x1  }
0x27e: {  	v3 =	vadd.s32 v1, v3;
	_ =	sdelay $0x2  }
0x27f: {  	[tilespmem:s21], [sflag:$0x1] =	stream.indirect_vreg.gather [hbm4b:s1+s3], $0x80, v4, vm0, $0xb8;
	[tilespmem:$0x18480] =	vst v63  }
0x280: {  	_ = 	snop  }
0x281: {  	[tilespmem:s22], [sflag:$0x1] =	stream.indirect_vreg.gather [hbm4b:s1+s3], $0x80, v3, vm0, $0xb8;
	[tilespmem:$0x18480] =	vst v63  }
0x282: {  	v3 =	vld [tilespmem:$0x390];
	_ =	sdelay $0x4  }
0x283: {  	v49 =	vshll.u32 v3, $0x1  }
0x284: {  	v3 =	vand.u32 $0x7, v3;
	v4 =	vand.u32 $0xFFFFFFF0, v49  }
0x285: {  	v3 =	vor.u32 v3, v4  }
0x286: {  	v4 =	vperm.xlane v3, v0;
	_ =	sdelay $0x1  }
0x287: {  	v3 =	vperm.xlane v3, v2;
	v4 =	vadd.s32 v1, v4;
	_ =	sdelay $0x1  }
0x288: {  	v3 =	vadd.s32 v1, v3;
	_ =	sdelay $0x2  }
0x289: {  	[tilespmem:s23], [sflag:$0x1] =	stream.indirect_vreg.gather [hbm4b:s1+s3], $0x80, v4, vm0, $0xb8;
	[tilespmem:$0x18480] =	vst v63  }
0x28a: {  	_ = 	snop  }
0x28b: {  	[tilespmem:s24], [sflag:$0x1] =	stream.indirect_vreg.gather [hbm4b:s1+s3], $0x80, v3, vm0, $0xb8;
	[tilespmem:$0x18480] =	vst v63  }
0x28c: {  	v3 =	vld [tilespmem:$0x3A0];
	_ =	sdelay $0x4  }
0x28d: {  	v50 =	vshll.u32 v3, $0x1  }
0x28e: {  	v3 =	vand.u32 $0x7, v3;
	v4 =	vand.u32 $0xFFFFFFF0, v50  }
0x28f: {  	v3 =	vor.u32 v3, v4  }
0x290: {  	v4 =	vperm.xlane v3, v0;
	_ =	sdelay $0x1  }
0x291: {  	v3 =	vperm.xlane v3, v2;
	v4 =	vadd.s32 v1, v4;
	_ =	sdelay $0x1  }
0x292: {  	v3 =	vadd.s32 v1, v3;
	_ =	sdelay $0x2  }
0x293: {  	[tilespmem:s25], [sflag:$0x1] =	stream.indirect_vreg.gather [hbm4b:s1+s3], $0x80, v4, vm0, $0xb8;
	[tilespmem:$0x18480] =	vst v63  }
0x294: {  	_ = 	snop  }
0x295: {  	[tilespmem:s26], [sflag:$0x1] =	stream.indirect_vreg.gather [hbm4b:s1+s3], $0x80, v3, vm0, $0xb8;
	[tilespmem:$0x18480] =	vst v63  }
0x296: {  	v3 =	vld [tilespmem:$0x3B0];
	_ =	sdelay $0x4  }
0x297: {  	v51 =	vshll.u32 v3, $0x1  }
0x298: {  	v3 =	vand.u32 $0x7, v3;
	v4 =	vand.u32 $0xFFFFFFF0, v51  }
0x299: {  	v3 =	vor.u32 v3, v4  }
0x29a: {  	v4 =	vperm.xlane v3, v0;
	_ =	sdelay $0x1  }
0x29b: {  	v3 =	vperm.xlane v3, v2;
	v4 =	vadd.s32 v1, v4;
	_ =	sdelay $0x1  }
0x29c: {  	v3 =	vadd.s32 v1, v3;
	_ =	sdelay $0x2  }
0x29d: {  	[tilespmem:s6], [sflag:$0x1] =	stream.indirect_vreg.gather [hbm4b:s1+s3], $0x80, v4, vm0, $0xb8;
	[tilespmem:$0x18480] =	vst v63  }
0x29e: {  	s0 =	simm.s32 $0xBC80  }
0x29f: {  	[tilespmem:s0], [sflag:$0x1] =	stream.indirect_vreg.gather [hbm4b:s1+s3], $0x80, v3, vm0, $0xb8;
	[tilespmem:$0x18480] =	vst v63  }
0x2a0: {  	_ =	swait.ge [sflag:s30], $0xC000  }
0x2a1: {  	[sflag:s30] =	ssyncset.done $0x0  }
0x2a2: {  	s0 =	rddreg [dreg:$0x8];
	[sflag:s30] =	ssyncadd.s32 $0xFFFF4000  }
0x2a3: {  	[hbm4b:s0+s3] =	stream.linear.scatter [tilespmem:s5], [sflag:$0x4], $0xC000, $0x38;
	[tilespmem:$0x18480] =	vst v63  }
0x2a4: {  	_ =	swait.ge [sflag:s2], $0xC000  }
0x2a5: {  	[sflag:s2] =	ssyncset.done $0x0  }
0x2a6: {  	[sflag:s2] =	ssyncadd.s32 $0xFFFF4000  }
0x2a7: {  	v3 =	vld [tilespmem:$0x3C0];
	_ =	sdelay $0x4  }
0x2a8: {  	v52 =	vshll.u32 v3, $0x1  }
0x2a9: {  	v3 =	vand.u32 $0x7, v3;
	v4 =	vand.u32 $0xFFFFFFF0, v52  }
0x2aa: {  	v3 =	vor.u32 v3, v4  }
0x2ab: {  	v4 =	vperm.xlane v3, v0;
	_ =	sdelay $0x1  }
0x2ac: {  	v3 =	vperm.xlane v3, v2;
	v4 =	vadd.s32 v1, v4;
	_ =	sdelay $0x1  }
0x2ad: {  	v3 =	vadd.s32 v1, v3;
	_ =	sdelay $0x2  }
0x2ae: {  	[tilespmem:s5], [sflag:$0x2] =	stream.indirect_vreg.gather [hbm4b:s1+s3], $0x80, v4, vm0, $0xb8;
	[tilespmem:$0x18480] =	vst v63  }
0x2af: {  	s0 =	simm.s32 $0xCC80  }
0x2b0: {  	[tilespmem:s0], [sflag:$0x2] =	stream.indirect_vreg.gather [hbm4b:s1+s3], $0x80, v3, vm0, $0xb8;
	[tilespmem:$0x18480] =	vst v63  }
0x2b1: {  	v3 =	vld [tilespmem:$0x3D0];
	_ =	sdelay $0x4  }
0x2b2: {  	v53 =	vshll.u32 v3, $0x1  }
0x2b3: {  	v3 =	vand.u32 $0x7, v3;
	v4 =	vand.u32 $0xFFFFFFF0, v53  }
0x2b4: {  	v3 =	vor.u32 v3, v4  }
0x2b5: {  	v4 =	vperm.xlane v3, v0;
	_ =	sdelay $0x1  }
0x2b6: {  	v3 =	vperm.xlane v3, v2;
	v4 =	vadd.s32 v1, v4;
	_ =	sdelay $0x1  }
0x2b7: {  	v3 =	vadd.s32 v1, v3;
	_ =	sdelay $0x1  }
0x2b8: {  	s0 =	simm.s32 $0xD480  }
0x2b9: {  	[tilespmem:s0], [sflag:$0x2] =	stream.indirect_vreg.gather [hbm4b:s1+s3], $0x80, v4, vm0, $0xb8;
	[tilespmem:$0x18480] =	vst v63  }
0x2ba: {  	s0 =	simm.s32 $0xDC80  }
0x2bb: {  	[tilespmem:s0], [sflag:$0x2] =	stream.indirect_vreg.gather [hbm4b:s1+s3], $0x80, v3, vm0, $0xb8;
	[tilespmem:$0x18480] =	vst v63  }
0x2bc: {  	v3 =	vld [tilespmem:$0x3E0];
	_ =	sdelay $0x4  }
0x2bd: {  	v54 =	vshll.u32 v3, $0x1  }
0x2be: {  	v3 =	vand.u32 $0x7, v3;
	v4 =	vand.u32 $0xFFFFFFF0, v54  }
0x2bf: {  	v3 =	vor.u32 v3, v4  }
0x2c0: {  	v4 =	vperm.xlane v3, v0;
	_ =	sdelay $0x1  }
0x2c1: {  	v3 =	vperm.xlane v3, v2;
	v4 =	vadd.s32 v1, v4;
	_ =	sdelay $0x1  }
0x2c2: {  	v3 =	vadd.s32 v1, v3;
	_ =	sdelay $0x1  }
0x2c3: {  	s0 =	simm.s32 $0xE480  }
0x2c4: {  	[tilespmem:s0], [sflag:$0x2] =	stream.indirect_vreg.gather [hbm4b:s1+s3], $0x80, v4, vm0, $0xb8;
	[tilespmem:$0x18480] =	vst v63  }
0x2c5: {  	s0 =	simm.s32 $0xEC80  }
0x2c6: {  	[tilespmem:s0], [sflag:$0x2] =	stream.indirect_vreg.gather [hbm4b:s1+s3], $0x80, v3, vm0, $0xb8;
	[tilespmem:$0x18480] =	vst v63  }
0x2c7: {  	v3 =	vld [tilespmem:$0x3F0];
	_ =	sdelay $0x4  }
0x2c8: {  	v55 =	vshll.u32 v3, $0x1  }
0x2c9: {  	v3 =	vand.u32 $0x7, v3;
	v4 =	vand.u32 $0xFFFFFFF0, v55  }
0x2ca: {  	v3 =	vor.u32 v3, v4  }
0x2cb: {  	v4 =	vperm.xlane v3, v0;
	_ =	sdelay $0x1  }
0x2cc: {  	v3 =	vperm.xlane v3, v2;
	v4 =	vadd.s32 v1, v4;
	_ =	sdelay $0x1  }
0x2cd: {  	v3 =	vadd.s32 v1, v3;
	_ =	sdelay $0x1  }
0x2ce: {  	s0 =	simm.s32 $0xF480  }
0x2cf: {  	[tilespmem:s0], [sflag:$0x2] =	stream.indirect_vreg.gather [hbm4b:s1+s3], $0x80, v4, vm0, $0xb8;
	[tilespmem:$0x18480] =	vst v63  }
0x2d0: {  	s0 =	simm.s32 $0xFC80  }
0x2d1: {  	[tilespmem:s0], [sflag:$0x2] =	stream.indirect_vreg.gather [hbm4b:s1+s3], $0x80, v3, vm0, $0xb8;
	[tilespmem:$0x18480] =	vst v63  }
0x2d2: {  	v3 =	vld [tilespmem:$0x400];
	_ =	sdelay $0x4  }
0x2d3: {  	v56 =	vshll.u32 v3, $0x1  }
0x2d4: {  	v3 =	vand.u32 $0x7, v3;
	v4 =	vand.u32 $0xFFFFFFF0, v56  }
0x2d5: {  	v3 =	vor.u32 v3, v4  }
0x2d6: {  	v4 =	vperm.xlane v3, v0;
	_ =	sdelay $0x1  }
0x2d7: {  	v3 =	vperm.xlane v3, v2;
	v4 =	vadd.s32 v1, v4;
	_ =	sdelay $0x1  }
0x2d8: {  	v3 =	vadd.s32 v1, v3;
	_ =	sdelay $0x1  }
0x2d9: {  	s0 =	simm.s32 $0x10480  }
0x2da: {  	[tilespmem:s0], [sflag:$0x2] =	stream.indirect_vreg.gather [hbm4b:s1+s3], $0x80, v4, vm0, $0xb8;
	[tilespmem:$0x18480] =	vst v63  }
0x2db: {  	s0 =	simm.s32 $0x10C80  }
0x2dc: {  	[tilespmem:s0], [sflag:$0x2] =	stream.indirect_vreg.gather [hbm4b:s1+s3], $0x80, v3, vm0, $0xb8;
	[tilespmem:$0x18480] =	vst v63  }
0x2dd: {  	v3 =	vld [tilespmem:$0x410];
	_ =	sdelay $0x4  }
0x2de: {  	v57 =	vshll.u32 v3, $0x1  }
0x2df: {  	v3 =	vand.u32 $0x7, v3;
	v4 =	vand.u32 $0xFFFFFFF0, v57  }
0x2e0: {  	v3 =	vor.u32 v3, v4  }
0x2e1: {  	v4 =	vperm.xlane v3, v0;
	_ =	sdelay $0x1  }
0x2e2: {  	v3 =	vperm.xlane v3, v2;
	v4 =	vadd.s32 v1, v4;
	_ =	sdelay $0x1  }
0x2e3: {  	v3 =	vadd.s32 v1, v3;
	_ =	sdelay $0x1  }
0x2e4: {  	s0 =	simm.s32 $0x11480  }
0x2e5: {  	[tilespmem:s0], [sflag:$0x2] =	stream.indirect_vreg.gather [hbm4b:s1+s3], $0x80, v4, vm0, $0xb8;
	[tilespmem:$0x18480] =	vst v63  }
0x2e6: {  	s0 =	simm.s32 $0x11C80  }
0x2e7: {  	[tilespmem:s0], [sflag:$0x2] =	stream.indirect_vreg.gather [hbm4b:s1+s3], $0x80, v3, vm0, $0xb8;
	[tilespmem:$0x18480] =	vst v63  }
0x2e8: {  	v3 =	vld [tilespmem:$0x420];
	_ =	sdelay $0x4  }
0x2e9: {  	v58 =	vshll.u32 v3, $0x1  }
0x2ea: {  	v3 =	vand.u32 $0x7, v3;
	v4 =	vand.u32 $0xFFFFFFF0, v58  }
0x2eb: {  	v3 =	vor.u32 v3, v4  }
0x2ec: {  	v4 =	vperm.xlane v3, v0;
	_ =	sdelay $0x1  }
0x2ed: {  	v3 =	vperm.xlane v3, v2;
	v4 =	vadd.s32 v1, v4;
	_ =	sdelay $0x1  }
0x2ee: {  	v3 =	vadd.s32 v1, v3;
	_ =	sdelay $0x1  }
0x2ef: {  	s0 =	simm.s32 $0x12480  }
0x2f0: {  	[tilespmem:s0], [sflag:$0x2] =	stream.indirect_vreg.gather [hbm4b:s1+s3], $0x80, v4, vm0, $0xb8;
	[tilespmem:$0x18480] =	vst v63  }
0x2f1: {  	s0 =	simm.s32 $0x12C80  }
0x2f2: {  	[tilespmem:s0], [sflag:$0x2] =	stream.indirect_vreg.gather [hbm4b:s1+s3], $0x80, v3, vm0, $0xb8;
	[tilespmem:$0x18480] =	vst v63  }
0x2f3: {  	v3 =	vld [tilespmem:$0x430];
	_ =	sdelay $0x4  }
0x2f4: {  	v59 =	vshll.u32 v3, $0x1  }
0x2f5: {  	v3 =	vand.u32 $0x7, v3;
	v4 =	vand.u32 $0xFFFFFFF0, v59  }
0x2f6: {  	v3 =	vor.u32 v3, v4  }
0x2f7: {  	v4 =	vperm.xlane v3, v0;
	_ =	sdelay $0x1  }
0x2f8: {  	v3 =	vperm.xlane v3, v2;
	v4 =	vadd.s32 v1, v4;
	_ =	sdelay $0x1  }
0x2f9: {  	v3 =	vadd.s32 v1, v3;
	_ =	sdelay $0x1  }
0x2fa: {  	s0 =	simm.s32 $0x13480  }
0x2fb: {  	[tilespmem:s0], [sflag:$0x2] =	stream.indirect_vreg.gather [hbm4b:s1+s3], $0x80, v4, vm0, $0xb8;
	[tilespmem:$0x18480] =	vst v63  }
0x2fc: {  	s0 =	simm.s32 $0x13C80  }
0x2fd: {  	[tilespmem:s0], [sflag:$0x2] =	stream.indirect_vreg.gather [hbm4b:s1+s3], $0x80, v3, vm0, $0xb8;
	[tilespmem:$0x18480] =	vst v63  }
0x2fe: {  	v3 =	vld [tilespmem:$0x440];
	_ =	sdelay $0x4  }
0x2ff: {  	v60 =	vshll.u32 v3, $0x1  }
0x300: {  	v3 =	vand.u32 $0x7, v3;
	v4 =	vand.u32 $0xFFFFFFF0, v60  }
0x301: {  	v3 =	vor.u32 v3, v4  }
0x302: {  	v4 =	vperm.xlane v3, v0;
	_ =	sdelay $0x1  }
0x303: {  	v3 =	vperm.xlane v3, v2;
	v4 =	vadd.s32 v1, v4;
	_ =	sdelay $0x1  }
0x304: {  	v3 =	vadd.s32 v1, v3;
	_ =	sdelay $0x1  }
0x305: {  	s0 =	simm.s32 $0x14480  }
0x306: {  	[tilespmem:s0], [sflag:$0x2] =	stream.indirect_vreg.gather [hbm4b:s1+s3], $0x80, v4, vm0, $0xb8;
	[tilespmem:$0x18480] =	vst v63  }
0x307: {  	s0 =	simm.s32 $0x14C80  }
0x308: {  	[tilespmem:s0], [sflag:$0x2] =	stream.indirect_vreg.gather [hbm4b:s1+s3], $0x80, v3, vm0, $0xb8;
	[tilespmem:$0x18480] =	vst v63  }
0x309: {  	v3 =	vld [tilespmem:$0x450];
	_ =	sdelay $0x4  }
0x30a: {  	v61 =	vshll.u32 v3, $0x1  }
0x30b: {  	v3 =	vand.u32 $0x7, v3;
	v4 =	vand.u32 $0xFFFFFFF0, v61  }
0x30c: {  	v3 =	vor.u32 v3, v4  }
0x30d: {  	v4 =	vperm.xlane v3, v0;
	_ =	sdelay $0x1  }
0x30e: {  	v3 =	vperm.xlane v3, v2;
	v4 =	vadd.s32 v1, v4;
	_ =	sdelay $0x1  }
0x30f: {  	v3 =	vadd.s32 v1, v3;
	_ =	sdelay $0x1  }
0x310: {  	s0 =	simm.s32 $0x15480  }
0x311: {  	[tilespmem:s0], [sflag:$0x2] =	stream.indirect_vreg.gather [hbm4b:s1+s3], $0x80, v4, vm0, $0xb8;
	[tilespmem:$0x18480] =	vst v63  }
0x312: {  	s0 =	simm.s32 $0x15C80  }
0x313: {  	[tilespmem:s0], [sflag:$0x2] =	stream.indirect_vreg.gather [hbm4b:s1+s3], $0x80, v3, vm0, $0xb8;
	[tilespmem:$0x18480] =	vst v63  }
0x314: {  	v3 =	vld [tilespmem:$0x460];
	_ =	sdelay $0x4  }
0x315: {  	v62 =	vshll.u32 v3, $0x1  }
0x316: {  	v3 =	vand.u32 $0x7, v3;
	v4 =	vand.u32 $0xFFFFFFF0, v62  }
0x317: {  	v3 =	vor.u32 v3, v4  }
0x318: {  	v4 =	vperm.xlane v3, v0;
	_ =	sdelay $0x1  }
0x319: {  	v3 =	vperm.xlane v3, v2;
	v4 =	vadd.s32 v1, v4;
	_ =	sdelay $0x1  }
0x31a: {  	v3 =	vadd.s32 v1, v3;
	_ =	sdelay $0x1  }
0x31b: {  	s0 =	simm.s32 $0x16480  }
0x31c: {  	[tilespmem:s0], [sflag:$0x2] =	stream.indirect_vreg.gather [hbm4b:s1+s3], $0x80, v4, vm0, $0xb8;
	[tilespmem:$0x18480] =	vst v63  }
0x31d: {  	s0 =	simm.s32 $0x16C80  }
0x31e: {  	[tilespmem:s0], [sflag:$0x2] =	stream.indirect_vreg.gather [hbm4b:s1+s3], $0x80, v3, vm0, $0xb8;
	[tilespmem:$0x18480] =	vst v63  }
0x31f: {  	v3 =	vld [tilespmem:$0x470];
	_ =	sdelay $0x4  }
0x320: {  	v63 =	vshll.u32 v3, $0x1  }
0x321: {  	v3 =	vand.u32 $0x7, v3;
	v4 =	vand.u32 $0xFFFFFFF0, v63  }
0x322: {  	v3 =	vor.u32 v3, v4  }
0x323: {  	v4 =	vperm.xlane v3, v0;
	_ =	sdelay $0x1  }
0x324: {  	v3 =	vperm.xlane v3, v2;
	v4 =	vadd.s32 v1, v4;
	_ =	sdelay $0x1  }
0x325: {  	v3 =	vadd.s32 v1, v3;
	_ =	sdelay $0x1  }
0x326: {  	s0 =	simm.s32 $0x17480  }
0x327: {  	[tilespmem:s0], [sflag:$0x2] =	stream.indirect_vreg.gather [hbm4b:s1+s3], $0x80, v4, vm0, $0xb8;
	[tilespmem:$0x18480] =	vst v63  }
0x328: {  	s0 =	simm.s32 $0x17C80  }
0x329: {  	[tilespmem:s0], [sflag:$0x2] =	stream.indirect_vreg.gather [hbm4b:s1+s3], $0x80, v3, vm0, $0xb8;
	[tilespmem:$0x18480] =	vst v63  }
0x32a: {  	_ =	swait.ge [sflag:s28], $0xC000  }
0x32b: {  	[sflag:s28] =	ssyncset.done $0x0  }
0x32c: {  	s0 =	rddreg [dreg:$0x9];
	[sflag:s28] =	ssyncadd.s32 $0xFFFF4000  }
0x32d: {  	[hbm4b:s0+s3] =	stream.linear.scatter [tilespmem:s31], [sflag:$0x3], $0xC000, $0x38;
	[tilespmem:$0x18480] =	vst v63  }
0x32e: {  	_ =	swait.ge [sflag:s30], $0xC000  }
0x32f: {  	[sflag:s30] =	ssyncset.done $0x0  }
0x330: {  	s0 =	rddreg [dreg:$0xa];
	[sflag:s30] =	ssyncadd.s32 $0xFFFF4000  }
0x331: {  	[hbm4b:s0+s3] =	stream.linear.scatter [tilespmem:s5], [sflag:$0x4], $0xC000, $0x38;
	[tilespmem:$0x18480] =	vst v63  }
0x332: {  	p0 =	sne.s32 s4, $0x1;
	_ =	swait.ge [sflag:s29], $0xC000  }
.Ltmp0:
0x333: {  	[sflag:s29] =	ssyncset.done $0x0;
	(pc) =	sbr.rel @p0 .LBB2_1-.Ltmp0, $4  }
0x334: {  	[sflag:s29] =	ssyncadd.s32 $0xFFFF4000  }
0x335: {  	_ =	swait.ge [sflag:s2], $0xC000  }
0x336: {  	[sflag:s2] =	ssyncset.done $0x0  }
0x337: {  	s4 =	sadd.s32 $0xFFFFFFFF, s4;
	[sflag:s2] =	ssyncadd.s32 $0xFFFF4000  }
0x338: {  	_ =	sfence.sel $0x180000  }
0x339: {  	[bflag:$0x0] =	sbarrier.arrive $0xFFFF  }
0x33a: {  	_ =	strace $0x90000047  }
0x33b: {  	s0 =	stileid.u32;
	[bflag:$0x2] =	sbarrier.arrive $0xFFFF  }
0x33c: {  	p0 =	sne.s32 s0, $0x0;
	s0 =	rddreg [dreg:$0x3]  }
0x33d: {  	s0 =	sadd.s32 @!p0 $0x100000, s0  }
0x33e: {  	[sflag:s0] =	ssyncadd.tile.s32 @!p0 $0x1;
	_ =	shalt  }
.Lfunc_end2:
_tile_overlayer_lowered:
.L_overlay_start_2:
0x33f: {  	(tag) =	ssettag $0x2  }
0x340: {  	s0 =	rddreg [dreg:$0x0];
	s2 =	stileid.u32  }
0x341: {  	s1 =	rddreg [dreg:$0x1];
	p0 =	sne.s32 s2, $0x0  }
0x342: {  	s3 =	rddreg [dreg:$0x2];
	[bflag:$0x3] =	sbarrier.arrive $0xFFFF;
	s2 =	simm.s32 @!p0 $0x1C05  }
0x343: {  	[timem:s3], [sflag:s2] =	dma.local @!p0 [hbm:s0], s1  }
0x344: {  	s0 =	simm.s32 @!p0 $0x5  }
0x345: {  	_ =	swait.ge @!p0 [sflag:s0], s1  }
0x346: {  	s1 =	ssub.s32 @!p0 $0x0, s1;
	[sflag:s0] =	ssyncset.done @!p0 $0x0  }
0x347: {  	[sflag:s0] =	ssyncadd.s32 @!p0 s1  }
0x348: {  	[bflag:$0x3] =	sbarrier.arrive $0xFFFF  }
0x349: {  	_ =	shalt  }

</sc_bundles>
